<compile_context>
chip_gen: v7x
topology: tpu7x:2x2x1
jax: 0.10.2.dev20260603
libtpu: 0.0.44.dev20260713+nightly
codegen_flags: <defaults>
</compile_context>

<pallas_src>
import functools

import jax
import jax.numpy as jnp
from jax import lax
from jax.experimental import pallas as pl
from jax.experimental.pallas import tpu as pltpu
from jax.experimental.pallas import tpu_sc as plsc

_N = 10000
_E = 320000
_D = 128
_CHUNK = 128
_CHUNKS = _E // _CHUNK
_STAGE = 40
_ROWS_PER_TILE = 632
_N_PAD = 10112


def _hop(src, ei, zeros):
    mesh = plsc.VectorSubcoreMesh(core_axis_name="c", subcore_axis_name="s")

    @functools.partial(
        pl.kernel,
        out_type=jax.ShapeDtypeStruct((2, _N_PAD, _D), jnp.float32),
        mesh=mesh,
        scratch_types=[
            pltpu.VMEM((_STAGE * _CHUNK,), jnp.int32),
            pltpu.VMEM((_STAGE * _CHUNK,), jnp.int32),
            pltpu.VMEM((_CHUNK, _D), jnp.float32),
            pltpu.VMEM((_CHUNK, _D), jnp.float32),
            pltpu.VMEM_SHARED((_N_PAD, _D), jnp.float32),
            pltpu.SemaphoreType.DMA,
            pltpu.SemaphoreType.DMA,
        ],
    )
    def hop_kernel(src_hbm, ei_hbm, zeros_hbm, out_hbm,
                   col_v, row_v, gath0_v, gath1_v, acc_sh, sem0, sem1):
        c = lax.axis_index("c")
        s = lax.axis_index("s")
        wid = s * 2 + c

        pltpu.sync_copy(zeros_hbm, acc_sh.at[pl.ds(s * _ROWS_PER_TILE,
                                                   _ROWS_PER_TILE)])
        plsc.subcore_barrier()

        bufs = (gath0_v, gath1_v)
        sems = (sem0, sem1)

        def run_stage(base, size):
            pltpu.sync_copy(ei_hbm.at[1, pl.ds(base * _CHUNK, size * _CHUNK)],
                            col_v.at[pl.ds(0, size * _CHUNK)])
            pltpu.sync_copy(ei_hbm.at[0, pl.ds(base * _CHUNK, size * _CHUNK)],
                            row_v.at[pl.ds(0, size * _CHUNK)])

            pltpu.async_copy(src_hbm.at[col_v.at[pl.ds(0, _CHUNK)]],
                             bufs[0], sems[0])

            def step(k, b, prefetch=True):
                if prefetch:
                    @pl.when(k + 1 < size)
                    def _():
                        pltpu.async_copy(
                            src_hbm.at[col_v.at[pl.ds((k + 1) * _CHUNK,
                                                      _CHUNK)]],
                            bufs[1 - b], sems[1 - b])
                pltpu.make_async_copy(
                    src_hbm.at[col_v.at[pl.ds(k * _CHUNK, _CHUNK)]],
                    bufs[b], sems[b]).wait()
                pltpu.sync_copy(
                    bufs[b], acc_sh.at[row_v.at[pl.ds(k * _CHUNK, _CHUNK)]],
                    add=True)

            def body2(k2, carry):
                k = 2 * k2
                step(k, 0)
                step(k + 1, 1)
                return carry

            lax.fori_loop(0, size // 2, body2, 0)

        @pl.when(wid < 31)
        def _():
            run_stage(wid * 80, 40)
            run_stage(wid * 80 + 40, 40)

        @pl.when(wid == 31)
        def _():
            run_stage(2480, 20)

        plsc.subcore_barrier()

        pltpu.sync_copy(acc_sh.at[pl.ds(s * _ROWS_PER_TILE, _ROWS_PER_TILE)],
                        out_hbm.at[c, pl.ds(s * _ROWS_PER_TILE,
                                            _ROWS_PER_TILE)])

    return hop_kernel(src, ei, zeros)


def _combine_body(p0_ref, p1_ref, o_ref):
    o_ref[...] = p0_ref[0] + p1_ref[0]


def _combine(p):
    blk = 1264
    return pl.pallas_call(
        _combine_body,
        grid=(_N_PAD // blk,),
        in_specs=[
            pl.BlockSpec((1, blk, _D), lambda i: (0, i, 0)),
            pl.BlockSpec((1, blk, _D), lambda i: (1, i, 0)),
        ],
        out_specs=pl.BlockSpec((blk, _D), lambda i: (i, 0)),
        out_shape=jax.ShapeDtypeStruct((_N_PAD, _D), jnp.float32),
    )(p, p)


def _final_body(x_ref, x1_ref, q0_ref, q1_ref, w0_ref, w1_ref, w2_ref, b_ref,
                o_ref):
    x2 = q0_ref[0] + q1_ref[0]
    acc = jnp.dot(x_ref[...], w0_ref[...], preferred_element_type=jnp.float32)
    acc = acc + jnp.dot(x1_ref[...], w1_ref[...],
                        preferred_element_type=jnp.float32)
    acc = acc + jnp.dot(x2, w2_ref[...], preferred_element_type=jnp.float32)
    o_ref[...] = acc + b_ref[...]


def _final(x, x1, q, w0, w1, w2, b):
    blk = 1000
    return pl.pallas_call(
        _final_body,
        grid=(_N // blk,),
        in_specs=[
            pl.BlockSpec((blk, _D), lambda i: (i, 0)),
            pl.BlockSpec((blk, _D), lambda i: (i, 0)),
            pl.BlockSpec((1, blk, _D), lambda i: (0, i, 0)),
            pl.BlockSpec((1, blk, _D), lambda i: (1, i, 0)),
            pl.BlockSpec((_D, _D), lambda i: (0, 0)),
            pl.BlockSpec((_D, _D), lambda i: (0, 0)),
            pl.BlockSpec((_D, _D), lambda i: (0, 0)),
            pl.BlockSpec((1, _D), lambda i: (0, 0)),
        ],
        out_specs=pl.BlockSpec((blk, _D), lambda i: (i, 0)),
        out_shape=jax.ShapeDtypeStruct((_N, _D), jnp.float32),
    )(x, x1, q, q, w0, w1, w2, b)


def kernel(x, edge_index, batch, W0_0, W0_1, W0_2, b0, W1_0, W1_1, W1_2, b1):
    zeros = jnp.zeros((_ROWS_PER_TILE, _D), jnp.float32)

    p = _hop(x, edge_index, zeros)
    x1 = _combine(p)
    q = _hop(x1, edge_index, zeros)
    return _final(x, x1, q, W1_0, W1_1, W1_2, b1.reshape(1, _D))

# --- scband reference (transcript-rebuilt; emitter-appended) ---
"""Pipeline reference for scband-stacked-sign-57397942944432 (READ-ONLY COPY).

The authoritative reference and input builder live on the scoring server;
editing this copy changes nothing except your own understanding.
"""

import jax, jax.numpy as jnp
import numpy as np

N = 10000
E = 320000
D = 128   # in_channels
H = 128   # hidden_channels
O = 128   # out_channels
HOPS = 2


def setup_inputs(seed: int = 0) -> dict:
    key = jax.random.key(seed)
    ks = jax.random.split(key, 12)
    x = jax.random.normal(ks[0], (N, D), dtype=jnp.float32)
    edge_index = jax.random.randint(ks[1], (2, E), 0, N, dtype=jnp.int32)
    batch = jnp.zeros((N,), dtype=jnp.int32)
    s_in = 1.0 / np.sqrt(D)
    s_hid = 1.0 / np.sqrt(D)  # hidden == in because forward re-feeds xs into every conv
    W0_0 = jax.random.normal(ks[2], (D, H), dtype=jnp.float32) * s_in
    W0_1 = jax.random.normal(ks[3], (D, H), dtype=jnp.float32) * s_in
    W0_2 = jax.random.normal(ks[4], (D, H), dtype=jnp.float32) * s_in
    b0 = jnp.zeros((H,), dtype=jnp.float32)
    W1_0 = jax.random.normal(ks[5], (D, O), dtype=jnp.float32) * s_hid
    W1_1 = jax.random.normal(ks[6], (D, O), dtype=jnp.float32) * s_hid
    W1_2 = jax.random.normal(ks[7], (D, O), dtype=jnp.float32) * s_hid
    b1 = jnp.zeros((O,), dtype=jnp.float32)
    return {
        "x": x, "edge_index": edge_index, "batch": batch,
        "W0_0": W0_0, "W0_1": W0_1, "W0_2": W0_2, "b0": b0,
        "W1_0": W1_0, "W1_1": W1_1, "W1_2": W1_2, "b1": b1,
    }


def _precompute(x, edge_index):
    # SparseTensor.from_edge_index(edge_index, (N, N)).matmul(cur):
    # out[row] += cur[col] for each edge (row = edge_index[0], col = edge_index[1])
    row = edge_index[0]
    col = edge_index[1]
    xs = [x]
    cur = x
    for _ in range(HOPS):
        cur = jnp.zeros((N, cur.shape[1]), dtype=cur.dtype).at[row].add(cur[col])
        xs.append(cur)
    return xs


def _sign_conv(xs, Ws, b):
    # SIGN layer: per-hop linear transform, summed, plus bias
    out = xs[0] @ Ws[0]
    for h in range(1, HOPS + 1):
        out = out + xs[h] @ Ws[h]
    return out + b


def reference(x, edge_index, batch, W0_0, W0_1, W0_2, b0, W1_0, W1_1, W1_2, b1):
    xs = _precompute(x, edge_index)
    # convs[:-1] loop (num_layers=2 -> one hidden conv); note original code
    # overwrites x with conv output but final conv consumes xs again
    h = _sign_conv(xs, (W0_0, W0_1, W0_2), b0)
    h = jax.nn.relu(h)
    # dropout: identity in eval mode
    out = _sign_conv(xs, (W1_0, W1_1, W1_2), b1)
    return out

if __name__ == "__main__":
    import jax
    _d = setup_inputs()
    print(jax.jit(kernel)(*tuple(_d.values())))

</pallas_src>

<mosaic_0001>
#map = affine_map<(d0, d1) -> (0, 0)>
#map1 = affine_map<(d0, d1) -> (0, 0, 0)>
module attributes {stable_mosaic.version = 14 : i64} {
  func.func @hop_kernel(%arg0: i32, %arg1: i32, %arg2: memref<10000x128xf32, #tpu.memory_space<hbm>>, %arg3: memref<2x320000xi32, #tpu.memory_space<hbm>>, %arg4: memref<632x128xf32, #tpu.memory_space<hbm>>, %arg5: memref<2x10112x128xf32, #tpu.memory_space<hbm>>, %arg6: memref<5120xi32, #tpu.memory_space<vmem>>, %arg7: memref<5120xi32, #tpu.memory_space<vmem>>, %arg8: memref<128x128xf32, #tpu.memory_space<vmem>>, %arg9: memref<128x128xf32, #tpu.memory_space<vmem>>, %arg10: memref<10112x128xf32, #tpu.memory_space<vmem_shared>>, %arg11: memref<!tpu.dma_semaphore, #tpu.memory_space<semaphore_mem>>, %arg12: memref<!tpu.dma_semaphore, #tpu.memory_space<semaphore_mem>>) attributes {dimension_semantics = [#tpu.dimension_semantics<core_parallel>, #tpu.dimension_semantics<subcore_parallel>], iteration_bounds = array<i64: 2, 16>, scalar_prefetch = 0 : i64, scratch_operands = 7 : i64, tpu.core_type = #tpu.core_type<sc_vector_subcore>, window_params = [{transform_indices = #map}, {transform_indices = #map}, {transform_indices = #map}, {transform_indices = #map1}]} {
    %mul3A = arith.constant 2 : i32
    %mul3A_0 = arith.muli %arg1, %mul3A : i32
    %add3A = arith.addi %mul3A_0, %arg0 : i32
    %mul3A_1 = arith.constant 632 : i32
    %mul3A_2 = arith.muli %arg1, %mul3A_1 : i32
    "tpu.region"() ({
      %run_scoped3A = tpu.sem_alloc : memref<!tpu.dma_semaphore, #tpu.memory_space<semaphore_mem>>
      %dma_start3A = arith.constant 0 : i32
      %dma_start3A_14 = tpu.memref_slice %arg10[%mul3A_2, %dma_start3A] : memref<10112x128xf32, #tpu.memory_space<vmem_shared>> -> memref<632x128xf32, #tpu.memory_space<vmem_shared>>
      tpu.enqueue_dma source(%arg4 : memref<632x128xf32, #tpu.memory_space<hbm>>) target(%dma_start3A_14 : memref<632x128xf32, #tpu.memory_space<vmem_shared>>) target_semaphore(%run_scoped3A : memref<!tpu.dma_semaphore, #tpu.memory_space<semaphore_mem>>)
      %dma_wait3A = arith.constant 0 : i32
      %dma_wait3A_15 = tpu.memref_slice %arg10[%mul3A_2, %dma_wait3A] : memref<10112x128xf32, #tpu.memory_space<vmem_shared>> -> memref<632x128xf32, #tpu.memory_space<vmem_shared>>
      tpu.wait_dma2 semaphore(%run_scoped3A : memref<!tpu.dma_semaphore, #tpu.memory_space<semaphore_mem>>) src(%arg4 : memref<632x128xf32, #tpu.memory_space<hbm>>) dst(%dma_wait3A_15 : memref<632x128xf32, #tpu.memory_space<vmem_shared>>)
      tpu.yield
    }) : () -> ()
    %barrier3A = arith.constant 0 : index
    tpu.barrier barrier_id(%barrier3A)
    %lt3A = arith.constant 31 : i32
    %lt3A_3 = arith.cmpi slt, %add3A, %lt3A : i32
    %convert_element_type3A = arith.extui %lt3A_3 : i1 to i32
    %cond3A = arith.constant 0 : i32
    %cond3A_4 = arith.cmpi ne, %convert_element_type3A, %cond3A : i32
    scf.if %cond3A_4 {
      %mul3A_14 = arith.constant 80 : i32
      %mul3A_15 = arith.muli %add3A, %mul3A_14 : i32
      %mul3A_16 = arith.constant 128 : i32
      %mul3A_17 = arith.muli %mul3A_15, %mul3A_16 : i32
      %run_scoped3A = arith.constant 1 : i32
      "tpu.region"() ({
        %run_scoped3A_51 = tpu.sem_alloc : memref<!tpu.dma_semaphore, #tpu.memory_space<semaphore_mem>>
        %dma_start3A_52 = arith.constant 0 : i32
        %dma_start3A_53 = tpu.memref_slice %arg6[%dma_start3A_52] : memref<5120xi32, #tpu.memory_space<vmem>> -> memref<5120xi32, #tpu.memory_space<vmem>>
        %dma_start3A_54 = tpu.memref_slice %arg3[%run_scoped3A, %mul3A_17] : memref<2x320000xi32, #tpu.memory_space<hbm>> -> memref<1x5120xi32, #tpu.memory_space<hbm>>
        %dma_start3A_55 = tpu.memref_squeeze %dma_start3A_54 : memref<1x5120xi32, #tpu.memory_space<hbm>> -> memref<5120xi32, #tpu.memory_space<hbm>>
        %dma_start3A_56 = arith.constant 0 : i32
        %dma_start3A_57 = tpu.memref_slice %arg6[%dma_start3A_56] : memref<5120xi32, #tpu.memory_space<vmem>> -> memref<5120xi32, #tpu.memory_space<vmem>>
        %dma_start3A_58 = tpu.memref_slice %arg3[%run_scoped3A, %mul3A_17] : memref<2x320000xi32, #tpu.memory_space<hbm>> -> memref<1x5120xi32, #tpu.memory_space<hbm>>
        %dma_start3A_59 = tpu.memref_squeeze %dma_start3A_58 : memref<1x5120xi32, #tpu.memory_space<hbm>> -> memref<5120xi32, #tpu.memory_space<hbm>>
        tpu.enqueue_dma source(%dma_start3A_59 : memref<5120xi32, #tpu.memory_space<hbm>>) target(%dma_start3A_57 : memref<5120xi32, #tpu.memory_space<vmem>>) target_semaphore(%run_scoped3A_51 : memref<!tpu.dma_semaphore, #tpu.memory_space<semaphore_mem>>)
        %dma_wait3A = arith.constant 0 : i32
        %dma_wait3A_60 = tpu.memref_slice %arg6[%dma_wait3A] : memref<5120xi32, #tpu.memory_space<vmem>> -> memref<5120xi32, #tpu.memory_space<vmem>>
        %dma_wait3A_61 = tpu.memref_slice %arg3[%run_scoped3A, %mul3A_17] : memref<2x320000xi32, #tpu.memory_space<hbm>> -> memref<1x5120xi32, #tpu.memory_space<hbm>>
        %dma_wait3A_62 = tpu.memref_squeeze %dma_wait3A_61 : memref<1x5120xi32, #tpu.memory_space<hbm>> -> memref<5120xi32, #tpu.memory_space<hbm>>
        %dma_wait3A_63 = arith.constant 0 : i32
        %dma_wait3A_64 = tpu.memref_slice %arg6[%dma_wait3A_63] : memref<5120xi32, #tpu.memory_space<vmem>> -> memref<5120xi32, #tpu.memory_space<vmem>>
        %dma_wait3A_65 = tpu.memref_slice %arg3[%run_scoped3A, %mul3A_17] : memref<2x320000xi32, #tpu.memory_space<hbm>> -> memref<1x5120xi32, #tpu.memory_space<hbm>>
        %dma_wait3A_66 = tpu.memref_squeeze %dma_wait3A_65 : memref<1x5120xi32, #tpu.memory_space<hbm>> -> memref<5120xi32, #tpu.memory_space<hbm>>
        tpu.wait_dma2 semaphore(%run_scoped3A_51 : memref<!tpu.dma_semaphore, #tpu.memory_space<semaphore_mem>>) src(%dma_wait3A_66 : memref<5120xi32, #tpu.memory_space<hbm>>) dst(%dma_wait3A_64 : memref<5120xi32, #tpu.memory_space<vmem>>)
        tpu.yield
      }) : () -> ()
      %mul3A_18 = arith.constant 128 : i32
      %mul3A_19 = arith.muli %mul3A_15, %mul3A_18 : i32
      %run_scoped3A_20 = arith.constant 0 : i32
      "tpu.region"() ({
        %run_scoped3A_51 = tpu.sem_alloc : memref<!tpu.dma_semaphore, #tpu.memory_space<semaphore_mem>>
        %dma_start3A_52 = arith.constant 0 : i32
        %dma_start3A_53 = tpu.memref_slice %arg7[%dma_start3A_52] : memref<5120xi32, #tpu.memory_space<vmem>> -> memref<5120xi32, #tpu.memory_space<vmem>>
        %dma_start3A_54 = tpu.memref_slice %arg3[%run_scoped3A_20, %mul3A_19] : memref<2x320000xi32, #tpu.memory_space<hbm>> -> memref<1x5120xi32, #tpu.memory_space<hbm>>
        %dma_start3A_55 = tpu.memref_squeeze %dma_start3A_54 : memref<1x5120xi32, #tpu.memory_space<hbm>> -> memref<5120xi32, #tpu.memory_space<hbm>>
        %dma_start3A_56 = arith.constant 0 : i32
        %dma_start3A_57 = tpu.memref_slice %arg7[%dma_start3A_56] : memref<5120xi32, #tpu.memory_space<vmem>> -> memref<5120xi32, #tpu.memory_space<vmem>>
        %dma_start3A_58 = tpu.memref_slice %arg3[%run_scoped3A_20, %mul3A_19] : memref<2x320000xi32, #tpu.memory_space<hbm>> -> memref<1x5120xi32, #tpu.memory_space<hbm>>
        %dma_start3A_59 = tpu.memref_squeeze %dma_start3A_58 : memref<1x5120xi32, #tpu.memory_space<hbm>> -> memref<5120xi32, #tpu.memory_space<hbm>>
        tpu.enqueue_dma source(%dma_start3A_59 : memref<5120xi32, #tpu.memory_space<hbm>>) target(%dma_start3A_57 : memref<5120xi32, #tpu.memory_space<vmem>>) target_semaphore(%run_scoped3A_51 : memref<!tpu.dma_semaphore, #tpu.memory_space<semaphore_mem>>)
        %dma_wait3A = arith.constant 0 : i32
        %dma_wait3A_60 = tpu.memref_slice %arg7[%dma_wait3A] : memref<5120xi32, #tpu.memory_space<vmem>> -> memref<5120xi32, #tpu.memory_space<vmem>>
        %dma_wait3A_61 = tpu.memref_slice %arg3[%run_scoped3A_20, %mul3A_19] : memref<2x320000xi32, #tpu.memory_space<hbm>> -> memref<1x5120xi32, #tpu.memory_space<hbm>>
        %dma_wait3A_62 = tpu.memref_squeeze %dma_wait3A_61 : memref<1x5120xi32, #tpu.memory_space<hbm>> -> memref<5120xi32, #tpu.memory_space<hbm>>
        %dma_wait3A_63 = arith.constant 0 : i32
        %dma_wait3A_64 = tpu.memref_slice %arg7[%dma_wait3A_63] : memref<5120xi32, #tpu.memory_space<vmem>> -> memref<5120xi32, #tpu.memory_space<vmem>>
        %dma_wait3A_65 = tpu.memref_slice %arg3[%run_scoped3A_20, %mul3A_19] : memref<2x320000xi32, #tpu.memory_space<hbm>> -> memref<1x5120xi32, #tpu.memory_space<hbm>>
        %dma_wait3A_66 = tpu.memref_squeeze %dma_wait3A_65 : memref<1x5120xi32, #tpu.memory_space<hbm>> -> memref<5120xi32, #tpu.memory_space<hbm>>
        tpu.wait_dma2 semaphore(%run_scoped3A_51 : memref<!tpu.dma_semaphore, #tpu.memory_space<semaphore_mem>>) src(%dma_wait3A_66 : memref<5120xi32, #tpu.memory_space<hbm>>) dst(%dma_wait3A_64 : memref<5120xi32, #tpu.memory_space<vmem>>)
        tpu.yield
      }) : () -> ()
      %dma_start3A = arith.constant 0 : i32
      %dma_start3A_21 = tpu.memref_slice %arg6[%dma_start3A] : memref<5120xi32, #tpu.memory_space<vmem>> -> memref<128xi32, #tpu.memory_space<vmem>>
      %dma_start3A_22 = arith.constant 0 : i32
      %dma_start3A_23 = arith.constant 0 : i32
      %dma_start3A_24 = tpu.memref_slice %arg2[%dma_start3A_22, %dma_start3A_23] : memref<10000x128xf32, #tpu.memory_space<hbm>> -> memref<10000x128xf32, #tpu.memory_space<hbm>>
      tpu.enqueue_indirect_dma source(%dma_start3A_24 : memref<10000x128xf32, #tpu.memory_space<hbm>>) target(%arg8 : memref<128x128xf32, #tpu.memory_space<vmem>>) offsets(%dma_start3A_21 : memref<128xi32, #tpu.memory_space<vmem>>) semaphore(%arg11 : memref<!tpu.dma_semaphore, #tpu.memory_space<semaphore_mem>>)
      %scan3A = arith.constant 0 : i32
      %scan3A_25 = arith.constant 0 : i32
      %scan3A_26 = arith.constant 20 : i32
      %scan3A_27 = arith.addi %scan3A_25, %scan3A_26 : i32
      %scan3A_28 = arith.constant 1 : i32
      scf.for %scan3A_51 = %scan3A_25 to %scan3A_27 step %scan3A_28  : i32 {
        %mul3A_52 = arith.constant 2 : i32
        %mul3A_53 = arith.muli %mul3A_52, %scan3A_51 : i32
        %add3A_54 = arith.constant 1 : i32
        %add3A_55 = arith.addi %mul3A_53, %add3A_54 : i32
        %lt3A_56 = arith.constant 40 : i32
        %lt3A_57 = arith.cmpi slt, %add3A_55, %lt3A_56 : i32
        %convert_element_type3A_58 = arith.extui %lt3A_57 : i1 to i32
        %cond3A_59 = arith.constant 0 : i32
        %cond3A_60 = arith.cmpi ne, %convert_element_type3A_58, %cond3A_59 : i32
        scf.if %cond3A_60 {
          %add3A_85 = arith.constant 1 : i32
          %add3A_86 = arith.addi %mul3A_53, %add3A_85 : i32
          %mul3A_87 = arith.constant 128 : i32
          %mul3A_88 = arith.muli %add3A_86, %mul3A_87 : i32
          %dma_start3A_89 = tpu.memref_slice %arg6[%mul3A_88] : memref<5120xi32, #tpu.memory_space<vmem>> -> memref<128xi32, #tpu.memory_space<vmem>>
          %dma_start3A_90 = arith.constant 0 : i32
          %dma_start3A_91 = arith.constant 0 : i32
          %dma_start3A_92 = tpu.memref_slice %arg2[%dma_start3A_90, %dma_start3A_91] : memref<10000x128xf32, #tpu.memory_space<hbm>> -> memref<10000x128xf32, #tpu.memory_space<hbm>>
          tpu.enqueue_indirect_dma source(%dma_start3A_92 : memref<10000x128xf32, #tpu.memory_space<hbm>>) target(%arg9 : memref<128x128xf32, #tpu.memory_space<vmem>>) offsets(%dma_start3A_89 : memref<128xi32, #tpu.memory_space<vmem>>) semaphore(%arg12 : memref<!tpu.dma_semaphore, #tpu.memory_space<semaphore_mem>>)
        } else {
        }
        %mul3A_61 = arith.constant 128 : i32
        %mul3A_62 = arith.muli %mul3A_53, %mul3A_61 : i32
        %dma_wait3A = tpu.memref_slice %arg6[%mul3A_62] : memref<5120xi32, #tpu.memory_space<vmem>> -> memref<128xi32, #tpu.memory_space<vmem>>
        %dma_wait3A_63 = arith.constant 0 : i32
        %dma_wait3A_64 = arith.constant 0 : i32
        %dma_wait3A_65 = tpu.memref_slice %arg2[%dma_wait3A_63, %dma_wait3A_64] : memref<10000x128xf32, #tpu.memory_space<hbm>> -> memref<10000x128xf32, #tpu.memory_space<hbm>>
        tpu.wait_indirect_dma semaphore(%arg11 : memref<!tpu.dma_semaphore, #tpu.memory_space<semaphore_mem>>) src(%dma_wait3A_65 : memref<10000x128xf32, #tpu.memory_space<hbm>>) dst(%arg8 : memref<128x128xf32, #tpu.memory_space<vmem>>)
        %mul3A_66 = arith.constant 128 : i32
        %mul3A_67 = arith.muli %mul3A_53, %mul3A_66 : i32
        "tpu.region"() ({
          %run_scoped3A_85 = tpu.sem_alloc : memref<!tpu.dma_semaphore, #tpu.memory_space<semaphore_mem>>
          %dma_start3A_86 = tpu.memref_slice %arg7[%mul3A_67] : memref<5120xi32, #tpu.memory_space<vmem>> -> memref<128xi32, #tpu.memory_space<vmem>>
          %dma_start3A_87 = arith.constant 0 : i32
          %dma_start3A_88 = arith.constant 0 : i32
          %dma_start3A_89 = tpu.memref_slice %arg10[%dma_start3A_87, %dma_start3A_88] : memref<10112x128xf32, #tpu.memory_space<vmem_shared>> -> memref<10112x128xf32, #tpu.memory_space<vmem_shared>>
          tpu.enqueue_indirect_dma source(%arg8 : memref<128x128xf32, #tpu.memory_space<vmem>>) target(%dma_start3A_89 : memref<10112x128xf32, #tpu.memory_space<vmem_shared>>) offsets(%dma_start3A_86 : memref<128xi32, #tpu.memory_space<vmem>>) semaphore(%run_scoped3A_85 : memref<!tpu.dma_semaphore, #tpu.memory_space<semaphore_mem>>) {add = true}
          %dma_wait3A_90 = tpu.memref_slice %arg7[%mul3A_67] : memref<5120xi32, #tpu.memory_space<vmem>> -> memref<128xi32, #tpu.memory_space<vmem>>
          %dma_wait3A_91 = arith.constant 0 : i32
          %dma_wait3A_92 = arith.constant 0 : i32
          %dma_wait3A_93 = tpu.memref_slice %arg10[%dma_wait3A_91, %dma_wait3A_92] : memref<10112x128xf32, #tpu.memory_space<vmem_shared>> -> memref<10112x128xf32, #tpu.memory_space<vmem_shared>>
          tpu.wait_indirect_dma semaphore(%run_scoped3A_85 : memref<!tpu.dma_semaphore, #tpu.memory_space<semaphore_mem>>) src(%arg8 : memref<128x128xf32, #tpu.memory_space<vmem>>) dst(%dma_wait3A_93 : memref<10112x128xf32, #tpu.memory_space<vmem_shared>>)
          tpu.yield
        }) : () -> ()
        %add3A_68 = arith.constant 1 : i32
        %add3A_69 = arith.addi %mul3A_53, %add3A_68 : i32
        %add3A_70 = arith.constant 1 : i32
        %add3A_71 = arith.addi %add3A_69, %add3A_70 : i32
        %lt3A_72 = arith.constant 40 : i32
        %lt3A_73 = arith.cmpi slt, %add3A_71, %lt3A_72 : i32
        %convert_element_type3A_74 = arith.extui %lt3A_73 : i1 to i32
        %cond3A_75 = arith.constant 0 : i32
        %cond3A_76 = arith.cmpi ne, %convert_element_type3A_74, %cond3A_75 : i32
        scf.if %cond3A_76 {
          %add3A_85 = arith.constant 1 : i32
          %add3A_86 = arith.addi %add3A_69, %add3A_85 : i32
          %mul3A_87 = arith.constant 128 : i32
          %mul3A_88 = arith.muli %add3A_86, %mul3A_87 : i32
          %dma_start3A_89 = tpu.memref_slice %arg6[%mul3A_88] : memref<5120xi32, #tpu.memory_space<vmem>> -> memref<128xi32, #tpu.memory_space<vmem>>
          %dma_start3A_90 = arith.constant 0 : i32
          %dma_start3A_91 = arith.constant 0 : i32
          %dma_start3A_92 = tpu.memref_slice %arg2[%dma_start3A_90, %dma_start3A_91] : memref<10000x128xf32, #tpu.memory_space<hbm>> -> memref<10000x128xf32, #tpu.memory_space<hbm>>
          tpu.enqueue_indirect_dma source(%dma_start3A_92 : memref<10000x128xf32, #tpu.memory_space<hbm>>) target(%arg8 : memref<128x128xf32, #tpu.memory_space<vmem>>) offsets(%dma_start3A_89 : memref<128xi32, #tpu.memory_space<vmem>>) semaphore(%arg11 : memref<!tpu.dma_semaphore, #tpu.memory_space<semaphore_mem>>)
        } else {
        }
        %mul3A_77 = arith.constant 128 : i32
        %mul3A_78 = arith.muli %add3A_69, %mul3A_77 : i32
        %dma_wait3A_79 = tpu.memref_slice %arg6[%mul3A_78] : memref<5120xi32, #tpu.memory_space<vmem>> -> memref<128xi32, #tpu.memory_space<vmem>>
        %dma_wait3A_80 = arith.constant 0 : i32
        %dma_wait3A_81 = arith.constant 0 : i32
        %dma_wait3A_82 = tpu.memref_slice %arg2[%dma_wait3A_80, %dma_wait3A_81] : memref<10000x128xf32, #tpu.memory_space<hbm>> -> memref<10000x128xf32, #tpu.memory_space<hbm>>
        tpu.wait_indirect_dma semaphore(%arg12 : memref<!tpu.dma_semaphore, #tpu.memory_space<semaphore_mem>>) src(%dma_wait3A_82 : memref<10000x128xf32, #tpu.memory_space<hbm>>) dst(%arg9 : memref<128x128xf32, #tpu.memory_space<vmem>>)
        %mul3A_83 = arith.constant 128 : i32
        %mul3A_84 = arith.muli %add3A_69, %mul3A_83 : i32
        "tpu.region"() ({
          %run_scoped3A_85 = tpu.sem_alloc : memref<!tpu.dma_semaphore, #tpu.memory_space<semaphore_mem>>
          %dma_start3A_86 = tpu.memref_slice %arg7[%mul3A_84] : memref<5120xi32, #tpu.memory_space<vmem>> -> memref<128xi32, #tpu.memory_space<vmem>>
          %dma_start3A_87 = arith.constant 0 : i32
          %dma_start3A_88 = arith.constant 0 : i32
          %dma_start3A_89 = tpu.memref_slice %arg10[%dma_start3A_87, %dma_start3A_88] : memref<10112x128xf32, #tpu.memory_space<vmem_shared>> -> memref<10112x128xf32, #tpu.memory_space<vmem_shared>>
          tpu.enqueue_indirect_dma source(%arg9 : memref<128x128xf32, #tpu.memory_space<vmem>>) target(%dma_start3A_89 : memref<10112x128xf32, #tpu.memory_space<vmem_shared>>) offsets(%dma_start3A_86 : memref<128xi32, #tpu.memory_space<vmem>>) semaphore(%run_scoped3A_85 : memref<!tpu.dma_semaphore, #tpu.memory_space<semaphore_mem>>) {add = true}
          %dma_wait3A_90 = tpu.memref_slice %arg7[%mul3A_84] : memref<5120xi32, #tpu.memory_space<vmem>> -> memref<128xi32, #tpu.memory_space<vmem>>
          %dma_wait3A_91 = arith.constant 0 : i32
          %dma_wait3A_92 = arith.constant 0 : i32
          %dma_wait3A_93 = tpu.memref_slice %arg10[%dma_wait3A_91, %dma_wait3A_92] : memref<10112x128xf32, #tpu.memory_space<vmem_shared>> -> memref<10112x128xf32, #tpu.memory_space<vmem_shared>>
          tpu.wait_indirect_dma semaphore(%run_scoped3A_85 : memref<!tpu.dma_semaphore, #tpu.memory_space<semaphore_mem>>) src(%arg9 : memref<128x128xf32, #tpu.memory_space<vmem>>) dst(%dma_wait3A_93 : memref<10112x128xf32, #tpu.memory_space<vmem_shared>>)
          tpu.yield
        }) : () -> ()
      }
      %scan3A_29 = arith.constant 20 : i32
      %mul3A_30 = arith.constant 80 : i32
      %mul3A_31 = arith.muli %add3A, %mul3A_30 : i32
      %add3A_32 = arith.constant 40 : i32
      %add3A_33 = arith.addi %mul3A_31, %add3A_32 : i32
      %mul3A_34 = arith.constant 128 : i32
      %mul3A_35 = arith.muli %add3A_33, %mul3A_34 : i32
      %run_scoped3A_36 = arith.constant 1 : i32
      "tpu.region"() ({
        %run_scoped3A_51 = tpu.sem_alloc : memref<!tpu.dma_semaphore, #tpu.memory_space<semaphore_mem>>
        %dma_start3A_52 = arith.constant 0 : i32
        %dma_start3A_53 = tpu.memref_slice %arg6[%dma_start3A_52] : memref<5120xi32, #tpu.memory_space<vmem>> -> memref<5120xi32, #tpu.memory_space<vmem>>
        %dma_start3A_54 = tpu.memref_slice %arg3[%run_scoped3A_36, %mul3A_35] : memref<2x320000xi32, #tpu.memory_space<hbm>> -> memref<1x5120xi32, #tpu.memory_space<hbm>>
        %dma_start3A_55 = tpu.memref_squeeze %dma_start3A_54 : memref<1x5120xi32, #tpu.memory_space<hbm>> -> memref<5120xi32, #tpu.memory_space<hbm>>
        %dma_start3A_56 = arith.constant 0 : i32
        %dma_start3A_57 = tpu.memref_slice %arg6[%dma_start3A_56] : memref<5120xi32, #tpu.memory_space<vmem>> -> memref<5120xi32, #tpu.memory_space<vmem>>
        %dma_start3A_58 = tpu.memref_slice %arg3[%run_scoped3A_36, %mul3A_35] : memref<2x320000xi32, #tpu.memory_space<hbm>> -> memref<1x5120xi32, #tpu.memory_space<hbm>>
        %dma_start3A_59 = tpu.memref_squeeze %dma_start3A_58 : memref<1x5120xi32, #tpu.memory_space<hbm>> -> memref<5120xi32, #tpu.memory_space<hbm>>
        tpu.enqueue_dma source(%dma_start3A_59 : memref<5120xi32, #tpu.memory_space<hbm>>) target(%dma_start3A_57 : memref<5120xi32, #tpu.memory_space<vmem>>) target_semaphore(%run_scoped3A_51 : memref<!tpu.dma_semaphore, #tpu.memory_space<semaphore_mem>>)
        %dma_wait3A = arith.constant 0 : i32
        %dma_wait3A_60 = tpu.memref_slice %arg6[%dma_wait3A] : memref<5120xi32, #tpu.memory_space<vmem>> -> memref<5120xi32, #tpu.memory_space<vmem>>
        %dma_wait3A_61 = tpu.memref_slice %arg3[%run_scoped3A_36, %mul3A_35] : memref<2x320000xi32, #tpu.memory_space<hbm>> -> memref<1x5120xi32, #tpu.memory_space<hbm>>
        %dma_wait3A_62 = tpu.memref_squeeze %dma_wait3A_61 : memref<1x5120xi32, #tpu.memory_space<hbm>> -> memref<5120xi32, #tpu.memory_space<hbm>>
        %dma_wait3A_63 = arith.constant 0 : i32
        %dma_wait3A_64 = tpu.memref_slice %arg6[%dma_wait3A_63] : memref<5120xi32, #tpu.memory_space<vmem>> -> memref<5120xi32, #tpu.memory_space<vmem>>
        %dma_wait3A_65 = tpu.memref_slice %arg3[%run_scoped3A_36, %mul3A_35] : memref<2x320000xi32, #tpu.memory_space<hbm>> -> memref<1x5120xi32, #tpu.memory_space<hbm>>
        %dma_wait3A_66 = tpu.memref_squeeze %dma_wait3A_65 : memref<1x5120xi32, #tpu.memory_space<hbm>> -> memref<5120xi32, #tpu.memory_space<hbm>>
        tpu.wait_dma2 semaphore(%run_scoped3A_51 : memref<!tpu.dma_semaphore, #tpu.memory_space<semaphore_mem>>) src(%dma_wait3A_66 : memref<5120xi32, #tpu.memory_space<hbm>>) dst(%dma_wait3A_64 : memref<5120xi32, #tpu.memory_space<vmem>>)
        tpu.yield
      }) : () -> ()
      %mul3A_37 = arith.constant 128 : i32
      %mul3A_38 = arith.muli %add3A_33, %mul3A_37 : i32
      %run_scoped3A_39 = arith.constant 0 : i32
      "tpu.region"() ({
        %run_scoped3A_51 = tpu.sem_alloc : memref<!tpu.dma_semaphore, #tpu.memory_space<semaphore_mem>>
        %dma_start3A_52 = arith.constant 0 : i32
        %dma_start3A_53 = tpu.memref_slice %arg7[%dma_start3A_52] : memref<5120xi32, #tpu.memory_space<vmem>> -> memref<5120xi32, #tpu.memory_space<vmem>>
        %dma_start3A_54 = tpu.memref_slice %arg3[%run_scoped3A_39, %mul3A_38] : memref<2x320000xi32, #tpu.memory_space<hbm>> -> memref<1x5120xi32, #tpu.memory_space<hbm>>
        %dma_start3A_55 = tpu.memref_squeeze %dma_start3A_54 : memref<1x5120xi32, #tpu.memory_space<hbm>> -> memref<5120xi32, #tpu.memory_space<hbm>>
        %dma_start3A_56 = arith.constant 0 : i32
        %dma_start3A_57 = tpu.memref_slice %arg7[%dma_start3A_56] : memref<5120xi32, #tpu.memory_space<vmem>> -> memref<5120xi32, #tpu.memory_space<vmem>>
        %dma_start3A_58 = tpu.memref_slice %arg3[%run_scoped3A_39, %mul3A_38] : memref<2x320000xi32, #tpu.memory_space<hbm>> -> memref<1x5120xi32, #tpu.memory_space<hbm>>
        %dma_start3A_59 = tpu.memref_squeeze %dma_start3A_58 : memref<1x5120xi32, #tpu.memory_space<hbm>> -> memref<5120xi32, #tpu.memory_space<hbm>>
        tpu.enqueue_dma source(%dma_start3A_59 : memref<5120xi32, #tpu.memory_space<hbm>>) target(%dma_start3A_57 : memref<5120xi32, #tpu.memory_space<vmem>>) target_semaphore(%run_scoped3A_51 : memref<!tpu.dma_semaphore, #tpu.memory_space<semaphore_mem>>)
        %dma_wait3A = arith.constant 0 : i32
        %dma_wait3A_60 = tpu.memref_slice %arg7[%dma_wait3A] : memref<5120xi32, #tpu.memory_space<vmem>> -> memref<5120xi32, #tpu.memory_space<vmem>>
        %dma_wait3A_61 = tpu.memref_slice %arg3[%run_scoped3A_39, %mul3A_38] : memref<2x320000xi32, #tpu.memory_space<hbm>> -> memref<1x5120xi32, #tpu.memory_space<hbm>>
        %dma_wait3A_62 = tpu.memref_squeeze %dma_wait3A_61 : memref<1x5120xi32, #tpu.memory_space<hbm>> -> memref<5120xi32, #tpu.memory_space<hbm>>
        %dma_wait3A_63 = arith.constant 0 : i32
        %dma_wait3A_64 = tpu.memref_slice %arg7[%dma_wait3A_63] : memref<5120xi32, #tpu.memory_space<vmem>> -> memref<5120xi32, #tpu.memory_space<vmem>>
        %dma_wait3A_65 = tpu.memref_slice %arg3[%run_scoped3A_39, %mul3A_38] : memref<2x320000xi32, #tpu.memory_space<hbm>> -> memref<1x5120xi32, #tpu.memory_space<hbm>>
        %dma_wait3A_66 = tpu.memref_squeeze %dma_wait3A_65 : memref<1x5120xi32, #tpu.memory_space<hbm>> -> memref<5120xi32, #tpu.memory_space<hbm>>
        tpu.wait_dma2 semaphore(%run_scoped3A_51 : memref<!tpu.dma_semaphore, #tpu.memory_space<semaphore_mem>>) src(%dma_wait3A_66 : memref<5120xi32, #tpu.memory_space<hbm>>) dst(%dma_wait3A_64 : memref<5120xi32, #tpu.memory_space<vmem>>)
        tpu.yield
      }) : () -> ()
      %dma_start3A_40 = arith.constant 0 : i32
      %dma_start3A_41 = tpu.memref_slice %arg6[%dma_start3A_40] : memref<5120xi32, #tpu.memory_space<vmem>> -> memref<128xi32, #tpu.memory_space<vmem>>
      %dma_start3A_42 = arith.constant 0 : i32
      %dma_start3A_43 = arith.constant 0 : i32
      %dma_start3A_44 = tpu.memref_slice %arg2[%dma_start3A_42, %dma_start3A_43] : memref<10000x128xf32, #tpu.memory_space<hbm>> -> memref<10000x128xf32, #tpu.memory_space<hbm>>
      tpu.enqueue_indirect_dma source(%dma_start3A_44 : memref<10000x128xf32, #tpu.memory_space<hbm>>) target(%arg8 : memref<128x128xf32, #tpu.memory_space<vmem>>) offsets(%dma_start3A_41 : memref<128xi32, #tpu.memory_space<vmem>>) semaphore(%arg11 : memref<!tpu.dma_semaphore, #tpu.memory_space<semaphore_mem>>)
      %scan3A_45 = arith.constant 0 : i32
      %scan3A_46 = arith.constant 0 : i32
      %scan3A_47 = arith.constant 20 : i32
      %scan3A_48 = arith.addi %scan3A_46, %scan3A_47 : i32
      %scan3A_49 = arith.constant 1 : i32
      scf.for %scan3A_51 = %scan3A_46 to %scan3A_48 step %scan3A_49  : i32 {
        %mul3A_52 = arith.constant 2 : i32
        %mul3A_53 = arith.muli %mul3A_52, %scan3A_51 : i32
        %add3A_54 = arith.constant 1 : i32
        %add3A_55 = arith.addi %mul3A_53, %add3A_54 : i32
        %lt3A_56 = arith.constant 40 : i32
        %lt3A_57 = arith.cmpi slt, %add3A_55, %lt3A_56 : i32
        %convert_element_type3A_58 = arith.extui %lt3A_57 : i1 to i32
        %cond3A_59 = arith.constant 0 : i32
        %cond3A_60 = arith.cmpi ne, %convert_element_type3A_58, %cond3A_59 : i32
        scf.if %cond3A_60 {
          %add3A_85 = arith.constant 1 : i32
          %add3A_86 = arith.addi %mul3A_53, %add3A_85 : i32
          %mul3A_87 = arith.constant 128 : i32
          %mul3A_88 = arith.muli %add3A_86, %mul3A_87 : i32
          %dma_start3A_89 = tpu.memref_slice %arg6[%mul3A_88] : memref<5120xi32, #tpu.memory_space<vmem>> -> memref<128xi32, #tpu.memory_space<vmem>>
          %dma_start3A_90 = arith.constant 0 : i32
          %dma_start3A_91 = arith.constant 0 : i32
          %dma_start3A_92 = tpu.memref_slice %arg2[%dma_start3A_90, %dma_start3A_91] : memref<10000x128xf32, #tpu.memory_space<hbm>> -> memref<10000x128xf32, #tpu.memory_space<hbm>>
          tpu.enqueue_indirect_dma source(%dma_start3A_92 : memref<10000x128xf32, #tpu.memory_space<hbm>>) target(%arg9 : memref<128x128xf32, #tpu.memory_space<vmem>>) offsets(%dma_start3A_89 : memref<128xi32, #tpu.memory_space<vmem>>) semaphore(%arg12 : memref<!tpu.dma_semaphore, #tpu.memory_space<semaphore_mem>>)
        } else {
        }
        %mul3A_61 = arith.constant 128 : i32
        %mul3A_62 = arith.muli %mul3A_53, %mul3A_61 : i32
        %dma_wait3A = tpu.memref_slice %arg6[%mul3A_62] : memref<5120xi32, #tpu.memory_space<vmem>> -> memref<128xi32, #tpu.memory_space<vmem>>
        %dma_wait3A_63 = arith.constant 0 : i32
        %dma_wait3A_64 = arith.constant 0 : i32
        %dma_wait3A_65 = tpu.memref_slice %arg2[%dma_wait3A_63, %dma_wait3A_64] : memref<10000x128xf32, #tpu.memory_space<hbm>> -> memref<10000x128xf32, #tpu.memory_space<hbm>>
        tpu.wait_indirect_dma semaphore(%arg11 : memref<!tpu.dma_semaphore, #tpu.memory_space<semaphore_mem>>) src(%dma_wait3A_65 : memref<10000x128xf32, #tpu.memory_space<hbm>>) dst(%arg8 : memref<128x128xf32, #tpu.memory_space<vmem>>)
        %mul3A_66 = arith.constant 128 : i32
        %mul3A_67 = arith.muli %mul3A_53, %mul3A_66 : i32
        "tpu.region"() ({
          %run_scoped3A_85 = tpu.sem_alloc : memref<!tpu.dma_semaphore, #tpu.memory_space<semaphore_mem>>
          %dma_start3A_86 = tpu.memref_slice %arg7[%mul3A_67] : memref<5120xi32, #tpu.memory_space<vmem>> -> memref<128xi32, #tpu.memory_space<vmem>>
          %dma_start3A_87 = arith.constant 0 : i32
          %dma_start3A_88 = arith.constant 0 : i32
          %dma_start3A_89 = tpu.memref_slice %arg10[%dma_start3A_87, %dma_start3A_88] : memref<10112x128xf32, #tpu.memory_space<vmem_shared>> -> memref<10112x128xf32, #tpu.memory_space<vmem_shared>>
          tpu.enqueue_indirect_dma source(%arg8 : memref<128x128xf32, #tpu.memory_space<vmem>>) target(%dma_start3A_89 : memref<10112x128xf32, #tpu.memory_space<vmem_shared>>) offsets(%dma_start3A_86 : memref<128xi32, #tpu.memory_space<vmem>>) semaphore(%run_scoped3A_85 : memref<!tpu.dma_semaphore, #tpu.memory_space<semaphore_mem>>) {add = true}
          %dma_wait3A_90 = tpu.memref_slice %arg7[%mul3A_67] : memref<5120xi32, #tpu.memory_space<vmem>> -> memref<128xi32, #tpu.memory_space<vmem>>
          %dma_wait3A_91 = arith.constant 0 : i32
          %dma_wait3A_92 = arith.constant 0 : i32
          %dma_wait3A_93 = tpu.memref_slice %arg10[%dma_wait3A_91, %dma_wait3A_92] : memref<10112x128xf32, #tpu.memory_space<vmem_shared>> -> memref<10112x128xf32, #tpu.memory_space<vmem_shared>>
          tpu.wait_indirect_dma semaphore(%run_scoped3A_85 : memref<!tpu.dma_semaphore, #tpu.memory_space<semaphore_mem>>) src(%arg8 : memref<128x128xf32, #tpu.memory_space<vmem>>) dst(%dma_wait3A_93 : memref<10112x128xf32, #tpu.memory_space<vmem_shared>>)
          tpu.yield
        }) : () -> ()
        %add3A_68 = arith.constant 1 : i32
        %add3A_69 = arith.addi %mul3A_53, %add3A_68 : i32
        %add3A_70 = arith.constant 1 : i32
        %add3A_71 = arith.addi %add3A_69, %add3A_70 : i32
        %lt3A_72 = arith.constant 40 : i32
        %lt3A_73 = arith.cmpi slt, %add3A_71, %lt3A_72 : i32
        %convert_element_type3A_74 = arith.extui %lt3A_73 : i1 to i32
        %cond3A_75 = arith.constant 0 : i32
        %cond3A_76 = arith.cmpi ne, %convert_element_type3A_74, %cond3A_75 : i32
        scf.if %cond3A_76 {
          %add3A_85 = arith.constant 1 : i32
          %add3A_86 = arith.addi %add3A_69, %add3A_85 : i32
          %mul3A_87 = arith.constant 128 : i32
          %mul3A_88 = arith.muli %add3A_86, %mul3A_87 : i32
          %dma_start3A_89 = tpu.memref_slice %arg6[%mul3A_88] : memref<5120xi32, #tpu.memory_space<vmem>> -> memref<128xi32, #tpu.memory_space<vmem>>
          %dma_start3A_90 = arith.constant 0 : i32
          %dma_start3A_91 = arith.constant 0 : i32
          %dma_start3A_92 = tpu.memref_slice %arg2[%dma_start3A_90, %dma_start3A_91] : memref<10000x128xf32, #tpu.memory_space<hbm>> -> memref<10000x128xf32, #tpu.memory_space<hbm>>
          tpu.enqueue_indirect_dma source(%dma_start3A_92 : memref<10000x128xf32, #tpu.memory_space<hbm>>) target(%arg8 : memref<128x128xf32, #tpu.memory_space<vmem>>) offsets(%dma_start3A_89 : memref<128xi32, #tpu.memory_space<vmem>>) semaphore(%arg11 : memref<!tpu.dma_semaphore, #tpu.memory_space<semaphore_mem>>)
        } else {
        }
        %mul3A_77 = arith.constant 128 : i32
        %mul3A_78 = arith.muli %add3A_69, %mul3A_77 : i32
        %dma_wait3A_79 = tpu.memref_slice %arg6[%mul3A_78] : memref<5120xi32, #tpu.memory_space<vmem>> -> memref<128xi32, #tpu.memory_space<vmem>>
        %dma_wait3A_80 = arith.constant 0 : i32
        %dma_wait3A_81 = arith.constant 0 : i32
        %dma_wait3A_82 = tpu.memref_slice %arg2[%dma_wait3A_80, %dma_wait3A_81] : memref<10000x128xf32, #tpu.memory_space<hbm>> -> memref<10000x128xf32, #tpu.memory_space<hbm>>
        tpu.wait_indirect_dma semaphore(%arg12 : memref<!tpu.dma_semaphore, #tpu.memory_space<semaphore_mem>>) src(%dma_wait3A_82 : memref<10000x128xf32, #tpu.memory_space<hbm>>) dst(%arg9 : memref<128x128xf32, #tpu.memory_space<vmem>>)
        %mul3A_83 = arith.constant 128 : i32
        %mul3A_84 = arith.muli %add3A_69, %mul3A_83 : i32
        "tpu.region"() ({
          %run_scoped3A_85 = tpu.sem_alloc : memref<!tpu.dma_semaphore, #tpu.memory_space<semaphore_mem>>
          %dma_start3A_86 = tpu.memref_slice %arg7[%mul3A_84] : memref<5120xi32, #tpu.memory_space<vmem>> -> memref<128xi32, #tpu.memory_space<vmem>>
          %dma_start3A_87 = arith.constant 0 : i32
          %dma_start3A_88 = arith.constant 0 : i32
          %dma_start3A_89 = tpu.memref_slice %arg10[%dma_start3A_87, %dma_start3A_88] : memref<10112x128xf32, #tpu.memory_space<vmem_shared>> -> memref<10112x128xf32, #tpu.memory_space<vmem_shared>>
          tpu.enqueue_indirect_dma source(%arg9 : memref<128x128xf32, #tpu.memory_space<vmem>>) target(%dma_start3A_89 : memref<10112x128xf32, #tpu.memory_space<vmem_shared>>) offsets(%dma_start3A_86 : memref<128xi32, #tpu.memory_space<vmem>>) semaphore(%run_scoped3A_85 : memref<!tpu.dma_semaphore, #tpu.memory_space<semaphore_mem>>) {add = true}
          %dma_wait3A_90 = tpu.memref_slice %arg7[%mul3A_84] : memref<5120xi32, #tpu.memory_space<vmem>> -> memref<128xi32, #tpu.memory_space<vmem>>
          %dma_wait3A_91 = arith.constant 0 : i32
          %dma_wait3A_92 = arith.constant 0 : i32
          %dma_wait3A_93 = tpu.memref_slice %arg10[%dma_wait3A_91, %dma_wait3A_92] : memref<10112x128xf32, #tpu.memory_space<vmem_shared>> -> memref<10112x128xf32, #tpu.memory_space<vmem_shared>>
          tpu.wait_indirect_dma semaphore(%run_scoped3A_85 : memref<!tpu.dma_semaphore, #tpu.memory_space<semaphore_mem>>) src(%arg9 : memref<128x128xf32, #tpu.memory_space<vmem>>) dst(%dma_wait3A_93 : memref<10112x128xf32, #tpu.memory_space<vmem_shared>>)
          tpu.yield
        }) : () -> ()
      }
      %scan3A_50 = arith.constant 20 : i32
    } else {
    }
    %eq3A = arith.constant 31 : i32
    %eq3A_5 = arith.cmpi eq, %add3A, %eq3A : i32
    %convert_element_type3A_6 = arith.extui %eq3A_5 : i1 to i32
    %cond3A_7 = arith.constant 0 : i32
    %cond3A_8 = arith.cmpi ne, %convert_element_type3A_6, %cond3A_7 : i32
    scf.if %cond3A_8 {
      %run_scoped3A = arith.constant 1 : i32
      "tpu.region"() ({
        %run_scoped3A_24 = tpu.sem_alloc : memref<!tpu.dma_semaphore, #tpu.memory_space<semaphore_mem>>
        %dma_start3A_25 = arith.constant 0 : i32
        %dma_start3A_26 = tpu.memref_slice %arg6[%dma_start3A_25] : memref<5120xi32, #tpu.memory_space<vmem>> -> memref<2560xi32, #tpu.memory_space<vmem>>
        %dma_start3A_27 = arith.constant 317440 : i32
        %dma_start3A_28 = tpu.memref_slice %arg3[%run_scoped3A, %dma_start3A_27] : memref<2x320000xi32, #tpu.memory_space<hbm>> -> memref<1x2560xi32, #tpu.memory_space<hbm>>
        %dma_start3A_29 = tpu.memref_squeeze %dma_start3A_28 : memref<1x2560xi32, #tpu.memory_space<hbm>> -> memref<2560xi32, #tpu.memory_space<hbm>>
        %dma_start3A_30 = arith.constant 0 : i32
        %dma_start3A_31 = tpu.memref_slice %arg6[%dma_start3A_30] : memref<5120xi32, #tpu.memory_space<vmem>> -> memref<2560xi32, #tpu.memory_space<vmem>>
        %dma_start3A_32 = arith.constant 317440 : i32
        %dma_start3A_33 = tpu.memref_slice %arg3[%run_scoped3A, %dma_start3A_32] : memref<2x320000xi32, #tpu.memory_space<hbm>> -> memref<1x2560xi32, #tpu.memory_space<hbm>>
        %dma_start3A_34 = tpu.memref_squeeze %dma_start3A_33 : memref<1x2560xi32, #tpu.memory_space<hbm>> -> memref<2560xi32, #tpu.memory_space<hbm>>
        tpu.enqueue_dma source(%dma_start3A_34 : memref<2560xi32, #tpu.memory_space<hbm>>) target(%dma_start3A_31 : memref<2560xi32, #tpu.memory_space<vmem>>) target_semaphore(%run_scoped3A_24 : memref<!tpu.dma_semaphore, #tpu.memory_space<semaphore_mem>>)
        %dma_wait3A = arith.constant 0 : i32
        %dma_wait3A_35 = tpu.memref_slice %arg6[%dma_wait3A] : memref<5120xi32, #tpu.memory_space<vmem>> -> memref<2560xi32, #tpu.memory_space<vmem>>
        %dma_wait3A_36 = arith.constant 317440 : i32
        %dma_wait3A_37 = tpu.memref_slice %arg3[%run_scoped3A, %dma_wait3A_36] : memref<2x320000xi32, #tpu.memory_space<hbm>> -> memref<1x2560xi32, #tpu.memory_space<hbm>>
        %dma_wait3A_38 = tpu.memref_squeeze %dma_wait3A_37 : memref<1x2560xi32, #tpu.memory_space<hbm>> -> memref<2560xi32, #tpu.memory_space<hbm>>
        %dma_wait3A_39 = arith.constant 0 : i32
        %dma_wait3A_40 = tpu.memref_slice %arg6[%dma_wait3A_39] : memref<5120xi32, #tpu.memory_space<vmem>> -> memref<2560xi32, #tpu.memory_space<vmem>>
        %dma_wait3A_41 = arith.constant 317440 : i32
        %dma_wait3A_42 = tpu.memref_slice %arg3[%run_scoped3A, %dma_wait3A_41] : memref<2x320000xi32, #tpu.memory_space<hbm>> -> memref<1x2560xi32, #tpu.memory_space<hbm>>
        %dma_wait3A_43 = tpu.memref_squeeze %dma_wait3A_42 : memref<1x2560xi32, #tpu.memory_space<hbm>> -> memref<2560xi32, #tpu.memory_space<hbm>>
        tpu.wait_dma2 semaphore(%run_scoped3A_24 : memref<!tpu.dma_semaphore, #tpu.memory_space<semaphore_mem>>) src(%dma_wait3A_43 : memref<2560xi32, #tpu.memory_space<hbm>>) dst(%dma_wait3A_40 : memref<2560xi32, #tpu.memory_space<vmem>>)
        tpu.yield
      }) : () -> ()
      %run_scoped3A_14 = arith.constant 0 : i32
      "tpu.region"() ({
        %run_scoped3A_24 = tpu.sem_alloc : memref<!tpu.dma_semaphore, #tpu.memory_space<semaphore_mem>>
        %dma_start3A_25 = arith.constant 0 : i32
        %dma_start3A_26 = tpu.memref_slice %arg7[%dma_start3A_25] : memref<5120xi32, #tpu.memory_space<vmem>> -> memref<2560xi32, #tpu.memory_space<vmem>>
        %dma_start3A_27 = arith.constant 317440 : i32
        %dma_start3A_28 = tpu.memref_slice %arg3[%run_scoped3A_14, %dma_start3A_27] : memref<2x320000xi32, #tpu.memory_space<hbm>> -> memref<1x2560xi32, #tpu.memory_space<hbm>>
        %dma_start3A_29 = tpu.memref_squeeze %dma_start3A_28 : memref<1x2560xi32, #tpu.memory_space<hbm>> -> memref<2560xi32, #tpu.memory_space<hbm>>
        %dma_start3A_30 = arith.constant 0 : i32
        %dma_start3A_31 = tpu.memref_slice %arg7[%dma_start3A_30] : memref<5120xi32, #tpu.memory_space<vmem>> -> memref<2560xi32, #tpu.memory_space<vmem>>
        %dma_start3A_32 = arith.constant 317440 : i32
        %dma_start3A_33 = tpu.memref_slice %arg3[%run_scoped3A_14, %dma_start3A_32] : memref<2x320000xi32, #tpu.memory_space<hbm>> -> memref<1x2560xi32, #tpu.memory_space<hbm>>
        %dma_start3A_34 = tpu.memref_squeeze %dma_start3A_33 : memref<1x2560xi32, #tpu.memory_space<hbm>> -> memref<2560xi32, #tpu.memory_space<hbm>>
        tpu.enqueue_dma source(%dma_start3A_34 : memref<2560xi32, #tpu.memory_space<hbm>>) target(%dma_start3A_31 : memref<2560xi32, #tpu.memory_space<vmem>>) target_semaphore(%run_scoped3A_24 : memref<!tpu.dma_semaphore, #tpu.memory_space<semaphore_mem>>)
        %dma_wait3A = arith.constant 0 : i32
        %dma_wait3A_35 = tpu.memref_slice %arg7[%dma_wait3A] : memref<5120xi32, #tpu.memory_space<vmem>> -> memref<2560xi32, #tpu.memory_space<vmem>>
        %dma_wait3A_36 = arith.constant 317440 : i32
        %dma_wait3A_37 = tpu.memref_slice %arg3[%run_scoped3A_14, %dma_wait3A_36] : memref<2x320000xi32, #tpu.memory_space<hbm>> -> memref<1x2560xi32, #tpu.memory_space<hbm>>
        %dma_wait3A_38 = tpu.memref_squeeze %dma_wait3A_37 : memref<1x2560xi32, #tpu.memory_space<hbm>> -> memref<2560xi32, #tpu.memory_space<hbm>>
        %dma_wait3A_39 = arith.constant 0 : i32
        %dma_wait3A_40 = tpu.memref_slice %arg7[%dma_wait3A_39] : memref<5120xi32, #tpu.memory_space<vmem>> -> memref<2560xi32, #tpu.memory_space<vmem>>
        %dma_wait3A_41 = arith.constant 317440 : i32
        %dma_wait3A_42 = tpu.memref_slice %arg3[%run_scoped3A_14, %dma_wait3A_41] : memref<2x320000xi32, #tpu.memory_space<hbm>> -> memref<1x2560xi32, #tpu.memory_space<hbm>>
        %dma_wait3A_43 = tpu.memref_squeeze %dma_wait3A_42 : memref<1x2560xi32, #tpu.memory_space<hbm>> -> memref<2560xi32, #tpu.memory_space<hbm>>
        tpu.wait_dma2 semaphore(%run_scoped3A_24 : memref<!tpu.dma_semaphore, #tpu.memory_space<semaphore_mem>>) src(%dma_wait3A_43 : memref<2560xi32, #tpu.memory_space<hbm>>) dst(%dma_wait3A_40 : memref<2560xi32, #tpu.memory_space<vmem>>)
        tpu.yield
      }) : () -> ()
      %dma_start3A = arith.constant 0 : i32
      %dma_start3A_15 = tpu.memref_slice %arg6[%dma_start3A] : memref<5120xi32, #tpu.memory_space<vmem>> -> memref<128xi32, #tpu.memory_space<vmem>>
      %dma_start3A_16 = arith.constant 0 : i32
      %dma_start3A_17 = arith.constant 0 : i32
      %dma_start3A_18 = tpu.memref_slice %arg2[%dma_start3A_16, %dma_start3A_17] : memref<10000x128xf32, #tpu.memory_space<hbm>> -> memref<10000x128xf32, #tpu.memory_space<hbm>>
      tpu.enqueue_indirect_dma source(%dma_start3A_18 : memref<10000x128xf32, #tpu.memory_space<hbm>>) target(%arg8 : memref<128x128xf32, #tpu.memory_space<vmem>>) offsets(%dma_start3A_15 : memref<128xi32, #tpu.memory_space<vmem>>) semaphore(%arg11 : memref<!tpu.dma_semaphore, #tpu.memory_space<semaphore_mem>>)
      %scan3A = arith.constant 0 : i32
      %scan3A_19 = arith.constant 0 : i32
      %scan3A_20 = arith.constant 10 : i32
      %scan3A_21 = arith.addi %scan3A_19, %scan3A_20 : i32
      %scan3A_22 = arith.constant 1 : i32
      scf.for %scan3A_24 = %scan3A_19 to %scan3A_21 step %scan3A_22  : i32 {
        %mul3A_25 = arith.constant 2 : i32
        %mul3A_26 = arith.muli %mul3A_25, %scan3A_24 : i32
        %add3A_27 = arith.constant 1 : i32
        %add3A_28 = arith.addi %mul3A_26, %add3A_27 : i32
        %lt3A_29 = arith.constant 20 : i32
        %lt3A_30 = arith.cmpi slt, %add3A_28, %lt3A_29 : i32
        %convert_element_type3A_31 = arith.extui %lt3A_30 : i1 to i32
        %cond3A_32 = arith.constant 0 : i32
        %cond3A_33 = arith.cmpi ne, %convert_element_type3A_31, %cond3A_32 : i32
        scf.if %cond3A_33 {
          %add3A_58 = arith.constant 1 : i32
          %add3A_59 = arith.addi %mul3A_26, %add3A_58 : i32
          %mul3A_60 = arith.constant 128 : i32
          %mul3A_61 = arith.muli %add3A_59, %mul3A_60 : i32
          %dma_start3A_62 = tpu.memref_slice %arg6[%mul3A_61] : memref<5120xi32, #tpu.memory_space<vmem>> -> memref<128xi32, #tpu.memory_space<vmem>>
          %dma_start3A_63 = arith.constant 0 : i32
          %dma_start3A_64 = arith.constant 0 : i32
          %dma_start3A_65 = tpu.memref_slice %arg2[%dma_start3A_63, %dma_start3A_64] : memref<10000x128xf32, #tpu.memory_space<hbm>> -> memref<10000x128xf32, #tpu.memory_space<hbm>>
          tpu.enqueue_indirect_dma source(%dma_start3A_65 : memref<10000x128xf32, #tpu.memory_space<hbm>>) target(%arg9 : memref<128x128xf32, #tpu.memory_space<vmem>>) offsets(%dma_start3A_62 : memref<128xi32, #tpu.memory_space<vmem>>) semaphore(%arg12 : memref<!tpu.dma_semaphore, #tpu.memory_space<semaphore_mem>>)
        } else {
        }
        %mul3A_34 = arith.constant 128 : i32
        %mul3A_35 = arith.muli %mul3A_26, %mul3A_34 : i32
        %dma_wait3A = tpu.memref_slice %arg6[%mul3A_35] : memref<5120xi32, #tpu.memory_space<vmem>> -> memref<128xi32, #tpu.memory_space<vmem>>
        %dma_wait3A_36 = arith.constant 0 : i32
        %dma_wait3A_37 = arith.constant 0 : i32
        %dma_wait3A_38 = tpu.memref_slice %arg2[%dma_wait3A_36, %dma_wait3A_37] : memref<10000x128xf32, #tpu.memory_space<hbm>> -> memref<10000x128xf32, #tpu.memory_space<hbm>>
        tpu.wait_indirect_dma semaphore(%arg11 : memref<!tpu.dma_semaphore, #tpu.memory_space<semaphore_mem>>) src(%dma_wait3A_38 : memref<10000x128xf32, #tpu.memory_space<hbm>>) dst(%arg8 : memref<128x128xf32, #tpu.memory_space<vmem>>)
        %mul3A_39 = arith.constant 128 : i32
        %mul3A_40 = arith.muli %mul3A_26, %mul3A_39 : i32
        "tpu.region"() ({
          %run_scoped3A_58 = tpu.sem_alloc : memref<!tpu.dma_semaphore, #tpu.memory_space<semaphore_mem>>
          %dma_start3A_59 = tpu.memref_slice %arg7[%mul3A_40] : memref<5120xi32, #tpu.memory_space<vmem>> -> memref<128xi32, #tpu.memory_space<vmem>>
          %dma_start3A_60 = arith.constant 0 : i32
          %dma_start3A_61 = arith.constant 0 : i32
          %dma_start3A_62 = tpu.memref_slice %arg10[%dma_start3A_60, %dma_start3A_61] : memref<10112x128xf32, #tpu.memory_space<vmem_shared>> -> memref<10112x128xf32, #tpu.memory_space<vmem_shared>>
          tpu.enqueue_indirect_dma source(%arg8 : memref<128x128xf32, #tpu.memory_space<vmem>>) target(%dma_start3A_62 : memref<10112x128xf32, #tpu.memory_space<vmem_shared>>) offsets(%dma_start3A_59 : memref<128xi32, #tpu.memory_space<vmem>>) semaphore(%run_scoped3A_58 : memref<!tpu.dma_semaphore, #tpu.memory_space<semaphore_mem>>) {add = true}
          %dma_wait3A_63 = tpu.memref_slice %arg7[%mul3A_40] : memref<5120xi32, #tpu.memory_space<vmem>> -> memref<128xi32, #tpu.memory_space<vmem>>
          %dma_wait3A_64 = arith.constant 0 : i32
          %dma_wait3A_65 = arith.constant 0 : i32
          %dma_wait3A_66 = tpu.memref_slice %arg10[%dma_wait3A_64, %dma_wait3A_65] : memref<10112x128xf32, #tpu.memory_space<vmem_shared>> -> memref<10112x128xf32, #tpu.memory_space<vmem_shared>>
          tpu.wait_indirect_dma semaphore(%run_scoped3A_58 : memref<!tpu.dma_semaphore, #tpu.memory_space<semaphore_mem>>) src(%arg8 : memref<128x128xf32, #tpu.memory_space<vmem>>) dst(%dma_wait3A_66 : memref<10112x128xf32, #tpu.memory_space<vmem_shared>>)
          tpu.yield
        }) : () -> ()
        %add3A_41 = arith.constant 1 : i32
        %add3A_42 = arith.addi %mul3A_26, %add3A_41 : i32
        %add3A_43 = arith.constant 1 : i32
        %add3A_44 = arith.addi %add3A_42, %add3A_43 : i32
        %lt3A_45 = arith.constant 20 : i32
        %lt3A_46 = arith.cmpi slt, %add3A_44, %lt3A_45 : i32
        %convert_element_type3A_47 = arith.extui %lt3A_46 : i1 to i32
        %cond3A_48 = arith.constant 0 : i32
        %cond3A_49 = arith.cmpi ne, %convert_element_type3A_47, %cond3A_48 : i32
        scf.if %cond3A_49 {
          %add3A_58 = arith.constant 1 : i32
          %add3A_59 = arith.addi %add3A_42, %add3A_58 : i32
          %mul3A_60 = arith.constant 128 : i32
          %mul3A_61 = arith.muli %add3A_59, %mul3A_60 : i32
          %dma_start3A_62 = tpu.memref_slice %arg6[%mul3A_61] : memref<5120xi32, #tpu.memory_space<vmem>> -> memref<128xi32, #tpu.memory_space<vmem>>
          %dma_start3A_63 = arith.constant 0 : i32
          %dma_start3A_64 = arith.constant 0 : i32
          %dma_start3A_65 = tpu.memref_slice %arg2[%dma_start3A_63, %dma_start3A_64] : memref<10000x128xf32, #tpu.memory_space<hbm>> -> memref<10000x128xf32, #tpu.memory_space<hbm>>
          tpu.enqueue_indirect_dma source(%dma_start3A_65 : memref<10000x128xf32, #tpu.memory_space<hbm>>) target(%arg8 : memref<128x128xf32, #tpu.memory_space<vmem>>) offsets(%dma_start3A_62 : memref<128xi32, #tpu.memory_space<vmem>>) semaphore(%arg11 : memref<!tpu.dma_semaphore, #tpu.memory_space<semaphore_mem>>)
        } else {
        }
        %mul3A_50 = arith.constant 128 : i32
        %mul3A_51 = arith.muli %add3A_42, %mul3A_50 : i32
        %dma_wait3A_52 = tpu.memref_slice %arg6[%mul3A_51] : memref<5120xi32, #tpu.memory_space<vmem>> -> memref<128xi32, #tpu.memory_space<vmem>>
        %dma_wait3A_53 = arith.constant 0 : i32
        %dma_wait3A_54 = arith.constant 0 : i32
        %dma_wait3A_55 = tpu.memref_slice %arg2[%dma_wait3A_53, %dma_wait3A_54] : memref<10000x128xf32, #tpu.memory_space<hbm>> -> memref<10000x128xf32, #tpu.memory_space<hbm>>
        tpu.wait_indirect_dma semaphore(%arg12 : memref<!tpu.dma_semaphore, #tpu.memory_space<semaphore_mem>>) src(%dma_wait3A_55 : memref<10000x128xf32, #tpu.memory_space<hbm>>) dst(%arg9 : memref<128x128xf32, #tpu.memory_space<vmem>>)
        %mul3A_56 = arith.constant 128 : i32
        %mul3A_57 = arith.muli %add3A_42, %mul3A_56 : i32
        "tpu.region"() ({
          %run_scoped3A_58 = tpu.sem_alloc : memref<!tpu.dma_semaphore, #tpu.memory_space<semaphore_mem>>
          %dma_start3A_59 = tpu.memref_slice %arg7[%mul3A_57] : memref<5120xi32, #tpu.memory_space<vmem>> -> memref<128xi32, #tpu.memory_space<vmem>>
          %dma_start3A_60 = arith.constant 0 : i32
          %dma_start3A_61 = arith.constant 0 : i32
          %dma_start3A_62 = tpu.memref_slice %arg10[%dma_start3A_60, %dma_start3A_61] : memref<10112x128xf32, #tpu.memory_space<vmem_shared>> -> memref<10112x128xf32, #tpu.memory_space<vmem_shared>>
          tpu.enqueue_indirect_dma source(%arg9 : memref<128x128xf32, #tpu.memory_space<vmem>>) target(%dma_start3A_62 : memref<10112x128xf32, #tpu.memory_space<vmem_shared>>) offsets(%dma_start3A_59 : memref<128xi32, #tpu.memory_space<vmem>>) semaphore(%run_scoped3A_58 : memref<!tpu.dma_semaphore, #tpu.memory_space<semaphore_mem>>) {add = true}
          %dma_wait3A_63 = tpu.memref_slice %arg7[%mul3A_57] : memref<5120xi32, #tpu.memory_space<vmem>> -> memref<128xi32, #tpu.memory_space<vmem>>
          %dma_wait3A_64 = arith.constant 0 : i32
          %dma_wait3A_65 = arith.constant 0 : i32
          %dma_wait3A_66 = tpu.memref_slice %arg10[%dma_wait3A_64, %dma_wait3A_65] : memref<10112x128xf32, #tpu.memory_space<vmem_shared>> -> memref<10112x128xf32, #tpu.memory_space<vmem_shared>>
          tpu.wait_indirect_dma semaphore(%run_scoped3A_58 : memref<!tpu.dma_semaphore, #tpu.memory_space<semaphore_mem>>) src(%arg9 : memref<128x128xf32, #tpu.memory_space<vmem>>) dst(%dma_wait3A_66 : memref<10112x128xf32, #tpu.memory_space<vmem_shared>>)
          tpu.yield
        }) : () -> ()
      }
      %scan3A_23 = arith.constant 10 : i32
    } else {
    }
    %barrier3A_9 = arith.constant 0 : index
    tpu.barrier barrier_id(%barrier3A_9)
    %mul3A_10 = arith.constant 632 : i32
    %mul3A_11 = arith.muli %arg1, %mul3A_10 : i32
    %mul3A_12 = arith.constant 632 : i32
    %mul3A_13 = arith.muli %arg1, %mul3A_12 : i32
    "tpu.region"() ({
      %run_scoped3A = tpu.sem_alloc : memref<!tpu.dma_semaphore, #tpu.memory_space<semaphore_mem>>
      %dma_start3A = arith.constant 0 : i32
      %dma_start3A_14 = tpu.memref_slice %arg5[%arg0, %mul3A_13, %dma_start3A] : memref<2x10112x128xf32, #tpu.memory_space<hbm>> -> memref<1x632x128xf32, #tpu.memory_space<hbm>>
      %dma_start3A_15 = tpu.memref_squeeze %dma_start3A_14 : memref<1x632x128xf32, #tpu.memory_space<hbm>> -> memref<632x128xf32, #tpu.memory_space<hbm>>
      %dma_start3A_16 = arith.constant 0 : i32
      %dma_start3A_17 = tpu.memref_slice %arg10[%mul3A_11, %dma_start3A_16] : memref<10112x128xf32, #tpu.memory_space<vmem_shared>> -> memref<632x128xf32, #tpu.memory_space<vmem_shared>>
      tpu.enqueue_dma source(%dma_start3A_17 : memref<632x128xf32, #tpu.memory_space<vmem_shared>>) target(%dma_start3A_15 : memref<632x128xf32, #tpu.memory_space<hbm>>) target_semaphore(%run_scoped3A : memref<!tpu.dma_semaphore, #tpu.memory_space<semaphore_mem>>)
      %dma_wait3A = arith.constant 0 : i32
      %dma_wait3A_18 = tpu.memref_slice %arg5[%arg0, %mul3A_13, %dma_wait3A] : memref<2x10112x128xf32, #tpu.memory_space<hbm>> -> memref<1x632x128xf32, #tpu.memory_space<hbm>>
      %dma_wait3A_19 = tpu.memref_squeeze %dma_wait3A_18 : memref<1x632x128xf32, #tpu.memory_space<hbm>> -> memref<632x128xf32, #tpu.memory_space<hbm>>
      %dma_wait3A_20 = arith.constant 0 : i32
      %dma_wait3A_21 = tpu.memref_slice %arg10[%mul3A_11, %dma_wait3A_20] : memref<10112x128xf32, #tpu.memory_space<vmem_shared>> -> memref<632x128xf32, #tpu.memory_space<vmem_shared>>
      tpu.wait_dma2 semaphore(%run_scoped3A : memref<!tpu.dma_semaphore, #tpu.memory_space<semaphore_mem>>) src(%dma_wait3A_21 : memref<632x128xf32, #tpu.memory_space<vmem_shared>>) dst(%dma_wait3A_19 : memref<632x128xf32, #tpu.memory_space<hbm>>)
      tpu.yield
    }) : () -> ()
    return
  }
}

#map = affine_map<(d0, d1) -> (0, 0)>
#map1 = affine_map<(d0, d1) -> (0, 0, 0)>
module attributes {stable_mosaic.version = 14 : i64} {
  func.func @hop_kernel(%arg0: i32, %arg1: i32, %arg2: memref<10112x128xf32, #tpu.memory_space<hbm>>, %arg3: memref<2x320000xi32, #tpu.memory_space<hbm>>, %arg4: memref<632x128xf32, #tpu.memory_space<hbm>>, %arg5: memref<2x10112x128xf32, #tpu.memory_space<hbm>>, %arg6: memref<5120xi32, #tpu.memory_space<vmem>>, %arg7: memref<5120xi32, #tpu.memory_space<vmem>>, %arg8: memref<128x128xf32, #tpu.memory_space<vmem>>, %arg9: memref<128x128xf32, #tpu.memory_space<vmem>>, %arg10: memref<10112x128xf32, #tpu.memory_space<vmem_shared>>, %arg11: memref<!tpu.dma_semaphore, #tpu.memory_space<semaphore_mem>>, %arg12: memref<!tpu.dma_semaphore, #tpu.memory_space<semaphore_mem>>) attributes {dimension_semantics = [#tpu.dimension_semantics<core_parallel>, #tpu.dimension_semantics<subcore_parallel>], iteration_bounds = array<i64: 2, 16>, scalar_prefetch = 0 : i64, scratch_operands = 7 : i64, tpu.core_type = #tpu.core_type<sc_vector_subcore>, window_params = [{transform_indices = #map}, {transform_indices = #map}, {transform_indices = #map}, {transform_indices = #map1}]} {
    %mul3A = arith.constant 2 : i32
    %mul3A_0 = arith.muli %arg1, %mul3A : i32
    %add3A = arith.addi %mul3A_0, %arg0 : i32
    %mul3A_1 = arith.constant 632 : i32
    %mul3A_2 = arith.muli %arg1, %mul3A_1 : i32
    "tpu.region"() ({
      %run_scoped3A = tpu.sem_alloc : memref<!tpu.dma_semaphore, #tpu.memory_space<semaphore_mem>>
      %dma_start3A = arith.constant 0 : i32
      %dma_start3A_14 = tpu.memref_slice %arg10[%mul3A_2, %dma_start3A] : memref<10112x128xf32, #tpu.memory_space<vmem_shared>> -> memref<632x128xf32, #tpu.memory_space<vmem_shared>>
      tpu.enqueue_dma source(%arg4 : memref<632x128xf32, #tpu.memory_space<hbm>>) target(%dma_start3A_14 : memref<632x128xf32, #tpu.memory_space<vmem_shared>>) target_semaphore(%run_scoped3A : memref<!tpu.dma_semaphore, #tpu.memory_space<semaphore_mem>>)
      %dma_wait3A = arith.constant 0 : i32
      %dma_wait3A_15 = tpu.memref_slice %arg10[%mul3A_2, %dma_wait3A] : memref<10112x128xf32, #tpu.memory_space<vmem_shared>> -> memref<632x128xf32, #tpu.memory_space<vmem_shared>>
      tpu.wait_dma2 semaphore(%run_scoped3A : memref<!tpu.dma_semaphore, #tpu.memory_space<semaphore_mem>>) src(%arg4 : memref<632x128xf32, #tpu.memory_space<hbm>>) dst(%dma_wait3A_15 : memref<632x128xf32, #tpu.memory_space<vmem_shared>>)
      tpu.yield
    }) : () -> ()
    %barrier3A = arith.constant 0 : index
    tpu.barrier barrier_id(%barrier3A)
    %lt3A = arith.constant 31 : i32
    %lt3A_3 = arith.cmpi slt, %add3A, %lt3A : i32
    %convert_element_type3A = arith.extui %lt3A_3 : i1 to i32
    %cond3A = arith.constant 0 : i32
    %cond3A_4 = arith.cmpi ne, %convert_element_type3A, %cond3A : i32
    scf.if %cond3A_4 {
      %mul3A_14 = arith.constant 80 : i32
      %mul3A_15 = arith.muli %add3A, %mul3A_14 : i32
      %mul3A_16 = arith.constant 128 : i32
      %mul3A_17 = arith.muli %mul3A_15, %mul3A_16 : i32
      %run_scoped3A = arith.constant 1 : i32
      "tpu.region"() ({
        %run_scoped3A_51 = tpu.sem_alloc : memref<!tpu.dma_semaphore, #tpu.memory_space<semaphore_mem>>
        %dma_start3A_52 = arith.constant 0 : i32
        %dma_start3A_53 = tpu.memref_slice %arg6[%dma_start3A_52] : memref<5120xi32, #tpu.memory_space<vmem>> -> memref<5120xi32, #tpu.memory_space<vmem>>
        %dma_start3A_54 = tpu.memref_slice %arg3[%run_scoped3A, %mul3A_17] : memref<2x320000xi32, #tpu.memory_space<hbm>> -> memref<1x5120xi32, #tpu.memory_space<hbm>>
        %dma_start3A_55 = tpu.memref_squeeze %dma_start3A_54 : memref<1x5120xi32, #tpu.memory_space<hbm>> -> memref<5120xi32, #tpu.memory_space<hbm>>
        %dma_start3A_56 = arith.constant 0 : i32
        %dma_start3A_57 = tpu.memref_slice %arg6[%dma_start3A_56] : memref<5120xi32, #tpu.memory_space<vmem>> -> memref<5120xi32, #tpu.memory_space<vmem>>
        %dma_start3A_58 = tpu.memref_slice %arg3[%run_scoped3A, %mul3A_17] : memref<2x320000xi32, #tpu.memory_space<hbm>> -> memref<1x5120xi32, #tpu.memory_space<hbm>>
        %dma_start3A_59 = tpu.memref_squeeze %dma_start3A_58 : memref<1x5120xi32, #tpu.memory_space<hbm>> -> memref<5120xi32, #tpu.memory_space<hbm>>
        tpu.enqueue_dma source(%dma_start3A_59 : memref<5120xi32, #tpu.memory_space<hbm>>) target(%dma_start3A_57 : memref<5120xi32, #tpu.memory_space<vmem>>) target_semaphore(%run_scoped3A_51 : memref<!tpu.dma_semaphore, #tpu.memory_space<semaphore_mem>>)
        %dma_wait3A = arith.constant 0 : i32
        %dma_wait3A_60 = tpu.memref_slice %arg6[%dma_wait3A] : memref<5120xi32, #tpu.memory_space<vmem>> -> memref<5120xi32, #tpu.memory_space<vmem>>
        %dma_wait3A_61 = tpu.memref_slice %arg3[%run_scoped3A, %mul3A_17] : memref<2x320000xi32, #tpu.memory_space<hbm>> -> memref<1x5120xi32, #tpu.memory_space<hbm>>
        %dma_wait3A_62 = tpu.memref_squeeze %dma_wait3A_61 : memref<1x5120xi32, #tpu.memory_space<hbm>> -> memref<5120xi32, #tpu.memory_space<hbm>>
        %dma_wait3A_63 = arith.constant 0 : i32
        %dma_wait3A_64 = tpu.memref_slice %arg6[%dma_wait3A_63] : memref<5120xi32, #tpu.memory_space<vmem>> -> memref<5120xi32, #tpu.memory_space<vmem>>
        %dma_wait3A_65 = tpu.memref_slice %arg3[%run_scoped3A, %mul3A_17] : memref<2x320000xi32, #tpu.memory_space<hbm>> -> memref<1x5120xi32, #tpu.memory_space<hbm>>
        %dma_wait3A_66 = tpu.memref_squeeze %dma_wait3A_65 : memref<1x5120xi32, #tpu.memory_space<hbm>> -> memref<5120xi32, #tpu.memory_space<hbm>>
        tpu.wait_dma2 semaphore(%run_scoped3A_51 : memref<!tpu.dma_semaphore, #tpu.memory_space<semaphore_mem>>) src(%dma_wait3A_66 : memref<5120xi32, #tpu.memory_space<hbm>>) dst(%dma_wait3A_64 : memref<5120xi32, #tpu.memory_space<vmem>>)
        tpu.yield
      }) : () -> ()
      %mul3A_18 = arith.constant 128 : i32
      %mul3A_19 = arith.muli %mul3A_15, %mul3A_18 : i32
      %run_scoped3A_20 = arith.constant 0 : i32
      "tpu.region"() ({
        %run_scoped3A_51 = tpu.sem_alloc : memref<!tpu.dma_semaphore, #tpu.memory_space<semaphore_mem>>
        %dma_start3A_52 = arith.constant 0 : i32
        %dma_start3A_53 = tpu.memref_slice %arg7[%dma_start3A_52] : memref<5120xi32, #tpu.memory_space<vmem>> -> memref<5120xi32, #tpu.memory_space<vmem>>
        %dma_start3A_54 = tpu.memref_slice %arg3[%run_scoped3A_20, %mul3A_19] : memref<2x320000xi32, #tpu.memory_space<hbm>> -> memref<1x5120xi32, #tpu.memory_space<hbm>>
        %dma_start3A_55 = tpu.memref_squeeze %dma_start3A_54 : memref<1x5120xi32, #tpu.memory_space<hbm>> -> memref<5120xi32, #tpu.memory_space<hbm>>
        %dma_start3A_56 = arith.constant 0 : i32
        %dma_start3A_57 = tpu.memref_slice %arg7[%dma_start3A_56] : memref<5120xi32, #tpu.memory_space<vmem>> -> memref<5120xi32, #tpu.memory_space<vmem>>
        %dma_start3A_58 = tpu.memref_slice %arg3[%run_scoped3A_20, %mul3A_19] : memref<2x320000xi32, #tpu.memory_space<hbm>> -> memref<1x5120xi32, #tpu.memory_space<hbm>>
        %dma_start3A_59 = tpu.memref_squeeze %dma_start3A_58 : memref<1x5120xi32, #tpu.memory_space<hbm>> -> memref<5120xi32, #tpu.memory_space<hbm>>
        tpu.enqueue_dma source(%dma_start3A_59 : memref<5120xi32, #tpu.memory_space<hbm>>) target(%dma_start3A_57 : memref<5120xi32, #tpu.memory_space<vmem>>) target_semaphore(%run_scoped3A_51 : memref<!tpu.dma_semaphore, #tpu.memory_space<semaphore_mem>>)
        %dma_wait3A = arith.constant 0 : i32
        %dma_wait3A_60 = tpu.memref_slice %arg7[%dma_wait3A] : memref<5120xi32, #tpu.memory_space<vmem>> -> memref<5120xi32, #tpu.memory_space<vmem>>
        %dma_wait3A_61 = tpu.memref_slice %arg3[%run_scoped3A_20, %mul3A_19] : memref<2x320000xi32, #tpu.memory_space<hbm>> -> memref<1x5120xi32, #tpu.memory_space<hbm>>
        %dma_wait3A_62 = tpu.memref_squeeze %dma_wait3A_61 : memref<1x5120xi32, #tpu.memory_space<hbm>> -> memref<5120xi32, #tpu.memory_space<hbm>>
        %dma_wait3A_63 = arith.constant 0 : i32
        %dma_wait3A_64 = tpu.memref_slice %arg7[%dma_wait3A_63] : memref<5120xi32, #tpu.memory_space<vmem>> -> memref<5120xi32, #tpu.memory_space<vmem>>
        %dma_wait3A_65 = tpu.memref_slice %arg3[%run_scoped3A_20, %mul3A_19] : memref<2x320000xi32, #tpu.memory_space<hbm>> -> memref<1x5120xi32, #tpu.memory_space<hbm>>
        %dma_wait3A_66 = tpu.memref_squeeze %dma_wait3A_65 : memref<1x5120xi32, #tpu.memory_space<hbm>> -> memref<5120xi32, #tpu.memory_space<hbm>>
        tpu.wait_dma2 semaphore(%run_scoped3A_51 : memref<!tpu.dma_semaphore, #tpu.memory_space<semaphore_mem>>) src(%dma_wait3A_66 : memref<5120xi32, #tpu.memory_space<hbm>>) dst(%dma_wait3A_64 : memref<5120xi32, #tpu.memory_space<vmem>>)
        tpu.yield
      }) : () -> ()
      %dma_start3A = arith.constant 0 : i32
      %dma_start3A_21 = tpu.memref_slice %arg6[%dma_start3A] : memref<5120xi32, #tpu.memory_space<vmem>> -> memref<128xi32, #tpu.memory_space<vmem>>
      %dma_start3A_22 = arith.constant 0 : i32
      %dma_start3A_23 = arith.constant 0 : i32
      %dma_start3A_24 = tpu.memref_slice %arg2[%dma_start3A_22, %dma_start3A_23] : memref<10112x128xf32, #tpu.memory_space<hbm>> -> memref<10112x128xf32, #tpu.memory_space<hbm>>
      tpu.enqueue_indirect_dma source(%dma_start3A_24 : memref<10112x128xf32, #tpu.memory_space<hbm>>) target(%arg8 : memref<128x128xf32, #tpu.memory_space<vmem>>) offsets(%dma_start3A_21 : memref<128xi32, #tpu.memory_space<vmem>>) semaphore(%arg11 : memref<!tpu.dma_semaphore, #tpu.memory_space<semaphore_mem>>)
      %scan3A = arith.constant 0 : i32
      %scan3A_25 = arith.constant 0 : i32
      %scan3A_26 = arith.constant 20 : i32
      %scan3A_27 = arith.addi %scan3A_25, %scan3A_26 : i32
      %scan3A_28 = arith.constant 1 : i32
      scf.for %scan3A_51 = %scan3A_25 to %scan3A_27 step %scan3A_28  : i32 {
        %mul3A_52 = arith.constant 2 : i32
        %mul3A_53 = arith.muli %mul3A_52, %scan3A_51 : i32
        %add3A_54 = arith.constant 1 : i32
        %add3A_55 = arith.addi %mul3A_53, %add3A_54 : i32
        %lt3A_56 = arith.constant 40 : i32
        %lt3A_57 = arith.cmpi slt, %add3A_55, %lt3A_56 : i32
        %convert_element_type3A_58 = arith.extui %lt3A_57 : i1 to i32
        %cond3A_59 = arith.constant 0 : i32
        %cond3A_60 = arith.cmpi ne, %convert_element_type3A_58, %cond3A_59 : i32
        scf.if %cond3A_60 {
          %add3A_85 = arith.constant 1 : i32
          %add3A_86 = arith.addi %mul3A_53, %add3A_85 : i32
          %mul3A_87 = arith.constant 128 : i32
          %mul3A_88 = arith.muli %add3A_86, %mul3A_87 : i32
          %dma_start3A_89 = tpu.memref_slice %arg6[%mul3A_88] : memref<5120xi32, #tpu.memory_space<vmem>> -> memref<128xi32, #tpu.memory_space<vmem>>
          %dma_start3A_90 = arith.constant 0 : i32
          %dma_start3A_91 = arith.constant 0 : i32
          %dma_start3A_92 = tpu.memref_slice %arg2[%dma_start3A_90, %dma_start3A_91] : memref<10112x128xf32, #tpu.memory_space<hbm>> -> memref<10112x128xf32, #tpu.memory_space<hbm>>
          tpu.enqueue_indirect_dma source(%dma_start3A_92 : memref<10112x128xf32, #tpu.memory_space<hbm>>) target(%arg9 : memref<128x128xf32, #tpu.memory_space<vmem>>) offsets(%dma_start3A_89 : memref<128xi32, #tpu.memory_space<vmem>>) semaphore(%arg12 : memref<!tpu.dma_semaphore, #tpu.memory_space<semaphore_mem>>)
        } else {
        }
        %mul3A_61 = arith.constant 128 : i32
        %mul3A_62 = arith.muli %mul3A_53, %mul3A_61 : i32
        %dma_wait3A = tpu.memref_slice %arg6[%mul3A_62] : memref<5120xi32, #tpu.memory_space<vmem>> -> memref<128xi32, #tpu.memory_space<vmem>>
        %dma_wait3A_63 = arith.constant 0 : i32
        %dma_wait3A_64 = arith.constant 0 : i32
        %dma_wait3A_65 = tpu.memref_slice %arg2[%dma_wait3A_63, %dma_wait3A_64] : memref<10112x128xf32, #tpu.memory_space<hbm>> -> memref<10112x128xf32, #tpu.memory_space<hbm>>
        tpu.wait_indirect_dma semaphore(%arg11 : memref<!tpu.dma_semaphore, #tpu.memory_space<semaphore_mem>>) src(%dma_wait3A_65 : memref<10112x128xf32, #tpu.memory_space<hbm>>) dst(%arg8 : memref<128x128xf32, #tpu.memory_space<vmem>>)
        %mul3A_66 = arith.constant 128 : i32
        %mul3A_67 = arith.muli %mul3A_53, %mul3A_66 : i32
        "tpu.region"() ({
          %run_scoped3A_85 = tpu.sem_alloc : memref<!tpu.dma_semaphore, #tpu.memory_space<semaphore_mem>>
          %dma_start3A_86 = tpu.memref_slice %arg7[%mul3A_67] : memref<5120xi32, #tpu.memory_space<vmem>> -> memref<128xi32, #tpu.memory_space<vmem>>
          %dma_start3A_87 = arith.constant 0 : i32
          %dma_start3A_88 = arith.constant 0 : i32
          %dma_start3A_89 = tpu.memref_slice %arg10[%dma_start3A_87, %dma_start3A_88] : memref<10112x128xf32, #tpu.memory_space<vmem_shared>> -> memref<10112x128xf32, #tpu.memory_space<vmem_shared>>
          tpu.enqueue_indirect_dma source(%arg8 : memref<128x128xf32, #tpu.memory_space<vmem>>) target(%dma_start3A_89 : memref<10112x128xf32, #tpu.memory_space<vmem_shared>>) offsets(%dma_start3A_86 : memref<128xi32, #tpu.memory_space<vmem>>) semaphore(%run_scoped3A_85 : memref<!tpu.dma_semaphore, #tpu.memory_space<semaphore_mem>>) {add = true}
          %dma_wait3A_90 = tpu.memref_slice %arg7[%mul3A_67] : memref<5120xi32, #tpu.memory_space<vmem>> -> memref<128xi32, #tpu.memory_space<vmem>>
          %dma_wait3A_91 = arith.constant 0 : i32
          %dma_wait3A_92 = arith.constant 0 : i32
          %dma_wait3A_93 = tpu.memref_slice %arg10[%dma_wait3A_91, %dma_wait3A_92] : memref<10112x128xf32, #tpu.memory_space<vmem_shared>> -> memref<10112x128xf32, #tpu.memory_space<vmem_shared>>
          tpu.wait_indirect_dma semaphore(%run_scoped3A_85 : memref<!tpu.dma_semaphore, #tpu.memory_space<semaphore_mem>>) src(%arg8 : memref<128x128xf32, #tpu.memory_space<vmem>>) dst(%dma_wait3A_93 : memref<10112x128xf32, #tpu.memory_space<vmem_shared>>)
          tpu.yield
        }) : () -> ()
        %add3A_68 = arith.constant 1 : i32
        %add3A_69 = arith.addi %mul3A_53, %add3A_68 : i32
        %add3A_70 = arith.constant 1 : i32
        %add3A_71 = arith.addi %add3A_69, %add3A_70 : i32
        %lt3A_72 = arith.constant 40 : i32
        %lt3A_73 = arith.cmpi slt, %add3A_71, %lt3A_72 : i32
        %convert_element_type3A_74 = arith.extui %lt3A_73 : i1 to i32
        %cond3A_75 = arith.constant 0 : i32
        %cond3A_76 = arith.cmpi ne, %convert_element_type3A_74, %cond3A_75 : i32
        scf.if %cond3A_76 {
          %add3A_85 = arith.constant 1 : i32
          %add3A_86 = arith.addi %add3A_69, %add3A_85 : i32
          %mul3A_87 = arith.constant 128 : i32
          %mul3A_88 = arith.muli %add3A_86, %mul3A_87 : i32
          %dma_start3A_89 = tpu.memref_slice %arg6[%mul3A_88] : memref<5120xi32, #tpu.memory_space<vmem>> -> memref<128xi32, #tpu.memory_space<vmem>>
          %dma_start3A_90 = arith.constant 0 : i32
          %dma_start3A_91 = arith.constant 0 : i32
          %dma_start3A_92 = tpu.memref_slice %arg2[%dma_start3A_90, %dma_start3A_91] : memref<10112x128xf32, #tpu.memory_space<hbm>> -> memref<10112x128xf32, #tpu.memory_space<hbm>>
          tpu.enqueue_indirect_dma source(%dma_start3A_92 : memref<10112x128xf32, #tpu.memory_space<hbm>>) target(%arg8 : memref<128x128xf32, #tpu.memory_space<vmem>>) offsets(%dma_start3A_89 : memref<128xi32, #tpu.memory_space<vmem>>) semaphore(%arg11 : memref<!tpu.dma_semaphore, #tpu.memory_space<semaphore_mem>>)
        } else {
        }
        %mul3A_77 = arith.constant 128 : i32
        %mul3A_78 = arith.muli %add3A_69, %mul3A_77 : i32
        %dma_wait3A_79 = tpu.memref_slice %arg6[%mul3A_78] : memref<5120xi32, #tpu.memory_space<vmem>> -> memref<128xi32, #tpu.memory_space<vmem>>
        %dma_wait3A_80 = arith.constant 0 : i32
        %dma_wait3A_81 = arith.constant 0 : i32
        %dma_wait3A_82 = tpu.memref_slice %arg2[%dma_wait3A_80, %dma_wait3A_81] : memref<10112x128xf32, #tpu.memory_space<hbm>> -> memref<10112x128xf32, #tpu.memory_space<hbm>>
        tpu.wait_indirect_dma semaphore(%arg12 : memref<!tpu.dma_semaphore, #tpu.memory_space<semaphore_mem>>) src(%dma_wait3A_82 : memref<10112x128xf32, #tpu.memory_space<hbm>>) dst(%arg9 : memref<128x128xf32, #tpu.memory_space<vmem>>)
        %mul3A_83 = arith.constant 128 : i32
        %mul3A_84 = arith.muli %add3A_69, %mul3A_83 : i32
        "tpu.region"() ({
          %run_scoped3A_85 = tpu.sem_alloc : memref<!tpu.dma_semaphore, #tpu.memory_space<semaphore_mem>>
          %dma_start3A_86 = tpu.memref_slice %arg7[%mul3A_84] : memref<5120xi32, #tpu.memory_space<vmem>> -> memref<128xi32, #tpu.memory_space<vmem>>
          %dma_start3A_87 = arith.constant 0 : i32
          %dma_start3A_88 = arith.constant 0 : i32
          %dma_start3A_89 = tpu.memref_slice %arg10[%dma_start3A_87, %dma_start3A_88] : memref<10112x128xf32, #tpu.memory_space<vmem_shared>> -> memref<10112x128xf32, #tpu.memory_space<vmem_shared>>
          tpu.enqueue_indirect_dma source(%arg9 : memref<128x128xf32, #tpu.memory_space<vmem>>) target(%dma_start3A_89 : memref<10112x128xf32, #tpu.memory_space<vmem_shared>>) offsets(%dma_start3A_86 : memref<128xi32, #tpu.memory_space<vmem>>) semaphore(%run_scoped3A_85 : memref<!tpu.dma_semaphore, #tpu.memory_space<semaphore_mem>>) {add = true}
          %dma_wait3A_90 = tpu.memref_slice %arg7[%mul3A_84] : memref<5120xi32, #tpu.memory_space<vmem>> -> memref<128xi32, #tpu.memory_space<vmem>>
          %dma_wait3A_91 = arith.constant 0 : i32
          %dma_wait3A_92 = arith.constant 0 : i32
          %dma_wait3A_93 = tpu.memref_slice %arg10[%dma_wait3A_91, %dma_wait3A_92] : memref<10112x128xf32, #tpu.memory_space<vmem_shared>> -> memref<10112x128xf32, #tpu.memory_space<vmem_shared>>
          tpu.wait_indirect_dma semaphore(%run_scoped3A_85 : memref<!tpu.dma_semaphore, #tpu.memory_space<semaphore_mem>>) src(%arg9 : memref<128x128xf32, #tpu.memory_space<vmem>>) dst(%dma_wait3A_93 : memref<10112x128xf32, #tpu.memory_space<vmem_shared>>)
          tpu.yield
        }) : () -> ()
      }
      %scan3A_29 = arith.constant 20 : i32
      %mul3A_30 = arith.constant 80 : i32
      %mul3A_31 = arith.muli %add3A, %mul3A_30 : i32
      %add3A_32 = arith.constant 40 : i32
      %add3A_33 = arith.addi %mul3A_31, %add3A_32 : i32
      %mul3A_34 = arith.constant 128 : i32
      %mul3A_35 = arith.muli %add3A_33, %mul3A_34 : i32
      %run_scoped3A_36 = arith.constant 1 : i32
      "tpu.region"() ({
        %run_scoped3A_51 = tpu.sem_alloc : memref<!tpu.dma_semaphore, #tpu.memory_space<semaphore_mem>>
        %dma_start3A_52 = arith.constant 0 : i32
        %dma_start3A_53 = tpu.memref_slice %arg6[%dma_start3A_52] : memref<5120xi32, #tpu.memory_space<vmem>> -> memref<5120xi32, #tpu.memory_space<vmem>>
        %dma_start3A_54 = tpu.memref_slice %arg3[%run_scoped3A_36, %mul3A_35] : memref<2x320000xi32, #tpu.memory_space<hbm>> -> memref<1x5120xi32, #tpu.memory_space<hbm>>
        %dma_start3A_55 = tpu.memref_squeeze %dma_start3A_54 : memref<1x5120xi32, #tpu.memory_space<hbm>> -> memref<5120xi32, #tpu.memory_space<hbm>>
        %dma_start3A_56 = arith.constant 0 : i32
        %dma_start3A_57 = tpu.memref_slice %arg6[%dma_start3A_56] : memref<5120xi32, #tpu.memory_space<vmem>> -> memref<5120xi32, #tpu.memory_space<vmem>>
        %dma_start3A_58 = tpu.memref_slice %arg3[%run_scoped3A_36, %mul3A_35] : memref<2x320000xi32, #tpu.memory_space<hbm>> -> memref<1x5120xi32, #tpu.memory_space<hbm>>
        %dma_start3A_59 = tpu.memref_squeeze %dma_start3A_58 : memref<1x5120xi32, #tpu.memory_space<hbm>> -> memref<5120xi32, #tpu.memory_space<hbm>>
        tpu.enqueue_dma source(%dma_start3A_59 : memref<5120xi32, #tpu.memory_space<hbm>>) target(%dma_start3A_57 : memref<5120xi32, #tpu.memory_space<vmem>>) target_semaphore(%run_scoped3A_51 : memref<!tpu.dma_semaphore, #tpu.memory_space<semaphore_mem>>)
        %dma_wait3A = arith.constant 0 : i32
        %dma_wait3A_60 = tpu.memref_slice %arg6[%dma_wait3A] : memref<5120xi32, #tpu.memory_space<vmem>> -> memref<5120xi32, #tpu.memory_space<vmem>>
        %dma_wait3A_61 = tpu.memref_slice %arg3[%run_scoped3A_36, %mul3A_35] : memref<2x320000xi32, #tpu.memory_space<hbm>> -> memref<1x5120xi32, #tpu.memory_space<hbm>>
        %dma_wait3A_62 = tpu.memref_squeeze %dma_wait3A_61 : memref<1x5120xi32, #tpu.memory_space<hbm>> -> memref<5120xi32, #tpu.memory_space<hbm>>
        %dma_wait3A_63 = arith.constant 0 : i32
        %dma_wait3A_64 = tpu.memref_slice %arg6[%dma_wait3A_63] : memref<5120xi32, #tpu.memory_space<vmem>> -> memref<5120xi32, #tpu.memory_space<vmem>>
        %dma_wait3A_65 = tpu.memref_slice %arg3[%run_scoped3A_36, %mul3A_35] : memref<2x320000xi32, #tpu.memory_space<hbm>> -> memref<1x5120xi32, #tpu.memory_space<hbm>>
        %dma_wait3A_66 = tpu.memref_squeeze %dma_wait3A_65 : memref<1x5120xi32, #tpu.memory_space<hbm>> -> memref<5120xi32, #tpu.memory_space<hbm>>
        tpu.wait_dma2 semaphore(%run_scoped3A_51 : memref<!tpu.dma_semaphore, #tpu.memory_space<semaphore_mem>>) src(%dma_wait3A_66 : memref<5120xi32, #tpu.memory_space<hbm>>) dst(%dma_wait3A_64 : memref<5120xi32, #tpu.memory_space<vmem>>)
        tpu.yield
      }) : () -> ()
      %mul3A_37 = arith.constant 128 : i32
      %mul3A_38 = arith.muli %add3A_33, %mul3A_37 : i32
      %run_scoped3A_39 = arith.constant 0 : i32
      "tpu.region"() ({
        %run_scoped3A_51 = tpu.sem_alloc : memref<!tpu.dma_semaphore, #tpu.memory_space<semaphore_mem>>
        %dma_start3A_52 = arith.constant 0 : i32
        %dma_start3A_53 = tpu.memref_slice %arg7[%dma_start3A_52] : memref<5120xi32, #tpu.memory_space<vmem>> -> memref<5120xi32, #tpu.memory_space<vmem>>
        %dma_start3A_54 = tpu.memref_slice %arg3[%run_scoped3A_39, %mul3A_38] : memref<2x320000xi32, #tpu.memory_space<hbm>> -> memref<1x5120xi32, #tpu.memory_space<hbm>>
        %dma_start3A_55 = tpu.memref_squeeze %dma_start3A_54 : memref<1x5120xi32, #tpu.memory_space<hbm>> -> memref<5120xi32, #tpu.memory_space<hbm>>
        %dma_start3A_56 = arith.constant 0 : i32
        %dma_start3A_57 = tpu.memref_slice %arg7[%dma_start3A_56] : memref<5120xi32, #tpu.memory_space<vmem>> -> memref<5120xi32, #tpu.memory_space<vmem>>
        %dma_start3A_58 = tpu.memref_slice %arg3[%run_scoped3A_39, %mul3A_38] : memref<2x320000xi32, #tpu.memory_space<hbm>> -> memref<1x5120xi32, #tpu.memory_space<hbm>>
        %dma_start3A_59 = tpu.memref_squeeze %dma_start3A_58 : memref<1x5120xi32, #tpu.memory_space<hbm>> -> memref<5120xi32, #tpu.memory_space<hbm>>
        tpu.enqueue_dma source(%dma_start3A_59 : memref<5120xi32, #tpu.memory_space<hbm>>) target(%dma_start3A_57 : memref<5120xi32, #tpu.memory_space<vmem>>) target_semaphore(%run_scoped3A_51 : memref<!tpu.dma_semaphore, #tpu.memory_space<semaphore_mem>>)
        %dma_wait3A = arith.constant 0 : i32
        %dma_wait3A_60 = tpu.memref_slice %arg7[%dma_wait3A] : memref<5120xi32, #tpu.memory_space<vmem>> -> memref<5120xi32, #tpu.memory_space<vmem>>
        %dma_wait3A_61 = tpu.memref_slice %arg3[%run_scoped3A_39, %mul3A_38] : memref<2x320000xi32, #tpu.memory_space<hbm>> -> memref<1x5120xi32, #tpu.memory_space<hbm>>
        %dma_wait3A_62 = tpu.memref_squeeze %dma_wait3A_61 : memref<1x5120xi32, #tpu.memory_space<hbm>> -> memref<5120xi32, #tpu.memory_space<hbm>>
        %dma_wait3A_63 = arith.constant 0 : i32
        %dma_wait3A_64 = tpu.memref_slice %arg7[%dma_wait3A_63] : memref<5120xi32, #tpu.memory_space<vmem>> -> memref<5120xi32, #tpu.memory_space<vmem>>
        %dma_wait3A_65 = tpu.memref_slice %arg3[%run_scoped3A_39, %mul3A_38] : memref<2x320000xi32, #tpu.memory_space<hbm>> -> memref<1x5120xi32, #tpu.memory_space<hbm>>
        %dma_wait3A_66 = tpu.memref_squeeze %dma_wait3A_65 : memref<1x5120xi32, #tpu.memory_space<hbm>> -> memref<5120xi32, #tpu.memory_space<hbm>>
        tpu.wait_dma2 semaphore(%run_scoped3A_51 : memref<!tpu.dma_semaphore, #tpu.memory_space<semaphore_mem>>) src(%dma_wait3A_66 : memref<5120xi32, #tpu.memory_space<hbm>>) dst(%dma_wait3A_64 : memref<5120xi32, #tpu.memory_space<vmem>>)
        tpu.yield
      }) : () -> ()
      %dma_start3A_40 = arith.constant 0 : i32
      %dma_start3A_41 = tpu.memref_slice %arg6[%dma_start3A_40] : memref<5120xi32, #tpu.memory_space<vmem>> -> memref<128xi32, #tpu.memory_space<vmem>>
      %dma_start3A_42 = arith.constant 0 : i32
      %dma_start3A_43 = arith.constant 0 : i32
      %dma_start3A_44 = tpu.memref_slice %arg2[%dma_start3A_42, %dma_start3A_43] : memref<10112x128xf32, #tpu.memory_space<hbm>> -> memref<10112x128xf32, #tpu.memory_space<hbm>>
      tpu.enqueue_indirect_dma source(%dma_start3A_44 : memref<10112x128xf32, #tpu.memory_space<hbm>>) target(%arg8 : memref<128x128xf32, #tpu.memory_space<vmem>>) offsets(%dma_start3A_41 : memref<128xi32, #tpu.memory_space<vmem>>) semaphore(%arg11 : memref<!tpu.dma_semaphore, #tpu.memory_space<semaphore_mem>>)
      %scan3A_45 = arith.constant 0 : i32
      %scan3A_46 = arith.constant 0 : i32
      %scan3A_47 = arith.constant 20 : i32
      %scan3A_48 = arith.addi %scan3A_46, %scan3A_47 : i32
      %scan3A_49 = arith.constant 1 : i32
      scf.for %scan3A_51 = %scan3A_46 to %scan3A_48 step %scan3A_49  : i32 {
        %mul3A_52 = arith.constant 2 : i32
        %mul3A_53 = arith.muli %mul3A_52, %scan3A_51 : i32
        %add3A_54 = arith.constant 1 : i32
        %add3A_55 = arith.addi %mul3A_53, %add3A_54 : i32
        %lt3A_56 = arith.constant 40 : i32
        %lt3A_57 = arith.cmpi slt, %add3A_55, %lt3A_56 : i32
        %convert_element_type3A_58 = arith.extui %lt3A_57 : i1 to i32
        %cond3A_59 = arith.constant 0 : i32
        %cond3A_60 = arith.cmpi ne, %convert_element_type3A_58, %cond3A_59 : i32
        scf.if %cond3A_60 {
          %add3A_85 = arith.constant 1 : i32
          %add3A_86 = arith.addi %mul3A_53, %add3A_85 : i32
          %mul3A_87 = arith.constant 128 : i32
          %mul3A_88 = arith.muli %add3A_86, %mul3A_87 : i32
          %dma_start3A_89 = tpu.memref_slice %arg6[%mul3A_88] : memref<5120xi32, #tpu.memory_space<vmem>> -> memref<128xi32, #tpu.memory_space<vmem>>
          %dma_start3A_90 = arith.constant 0 : i32
          %dma_start3A_91 = arith.constant 0 : i32
          %dma_start3A_92 = tpu.memref_slice %arg2[%dma_start3A_90, %dma_start3A_91] : memref<10112x128xf32, #tpu.memory_space<hbm>> -> memref<10112x128xf32, #tpu.memory_space<hbm>>
          tpu.enqueue_indirect_dma source(%dma_start3A_92 : memref<10112x128xf32, #tpu.memory_space<hbm>>) target(%arg9 : memref<128x128xf32, #tpu.memory_space<vmem>>) offsets(%dma_start3A_89 : memref<128xi32, #tpu.memory_space<vmem>>) semaphore(%arg12 : memref<!tpu.dma_semaphore, #tpu.memory_space<semaphore_mem>>)
        } else {
        }
        %mul3A_61 = arith.constant 128 : i32
        %mul3A_62 = arith.muli %mul3A_53, %mul3A_61 : i32
        %dma_wait3A = tpu.memref_slice %arg6[%mul3A_62] : memref<5120xi32, #tpu.memory_space<vmem>> -> memref<128xi32, #tpu.memory_space<vmem>>
        %dma_wait3A_63 = arith.constant 0 : i32
        %dma_wait3A_64 = arith.constant 0 : i32
        %dma_wait3A_65 = tpu.memref_slice %arg2[%dma_wait3A_63, %dma_wait3A_64] : memref<10112x128xf32, #tpu.memory_space<hbm>> -> memref<10112x128xf32, #tpu.memory_space<hbm>>
        tpu.wait_indirect_dma semaphore(%arg11 : memref<!tpu.dma_semaphore, #tpu.memory_space<semaphore_mem>>) src(%dma_wait3A_65 : memref<10112x128xf32, #tpu.memory_space<hbm>>) dst(%arg8 : memref<128x128xf32, #tpu.memory_space<vmem>>)
        %mul3A_66 = arith.constant 128 : i32
        %mul3A_67 = arith.muli %mul3A_53, %mul3A_66 : i32
        "tpu.region"() ({
          %run_scoped3A_85 = tpu.sem_alloc : memref<!tpu.dma_semaphore, #tpu.memory_space<semaphore_mem>>
          %dma_start3A_86 = tpu.memref_slice %arg7[%mul3A_67] : memref<5120xi32, #tpu.memory_space<vmem>> -> memref<128xi32, #tpu.memory_space<vmem>>
          %dma_start3A_87 = arith.constant 0 : i32
          %dma_start3A_88 = arith.constant 0 : i32
          %dma_start3A_89 = tpu.memref_slice %arg10[%dma_start3A_87, %dma_start3A_88] : memref<10112x128xf32, #tpu.memory_space<vmem_shared>> -> memref<10112x128xf32, #tpu.memory_space<vmem_shared>>
          tpu.enqueue_indirect_dma source(%arg8 : memref<128x128xf32, #tpu.memory_space<vmem>>) target(%dma_start3A_89 : memref<10112x128xf32, #tpu.memory_space<vmem_shared>>) offsets(%dma_start3A_86 : memref<128xi32, #tpu.memory_space<vmem>>) semaphore(%run_scoped3A_85 : memref<!tpu.dma_semaphore, #tpu.memory_space<semaphore_mem>>) {add = true}
          %dma_wait3A_90 = tpu.memref_slice %arg7[%mul3A_67] : memref<5120xi32, #tpu.memory_space<vmem>> -> memref<128xi32, #tpu.memory_space<vmem>>
          %dma_wait3A_91 = arith.constant 0 : i32
          %dma_wait3A_92 = arith.constant 0 : i32
          %dma_wait3A_93 = tpu.memref_slice %arg10[%dma_wait3A_91, %dma_wait3A_92] : memref<10112x128xf32, #tpu.memory_space<vmem_shared>> -> memref<10112x128xf32, #tpu.memory_space<vmem_shared>>
          tpu.wait_indirect_dma semaphore(%run_scoped3A_85 : memref<!tpu.dma_semaphore, #tpu.memory_space<semaphore_mem>>) src(%arg8 : memref<128x128xf32, #tpu.memory_space<vmem>>) dst(%dma_wait3A_93 : memref<10112x128xf32, #tpu.memory_space<vmem_shared>>)
          tpu.yield
        }) : () -> ()
        %add3A_68 = arith.constant 1 : i32
        %add3A_69 = arith.addi %mul3A_53, %add3A_68 : i32
        %add3A_70 = arith.constant 1 : i32
        %add3A_71 = arith.addi %add3A_69, %add3A_70 : i32
        %lt3A_72 = arith.constant 40 : i32
        %lt3A_73 = arith.cmpi slt, %add3A_71, %lt3A_72 : i32
        %convert_element_type3A_74 = arith.extui %lt3A_73 : i1 to i32
        %cond3A_75 = arith.constant 0 : i32
        %cond3A_76 = arith.cmpi ne, %convert_element_type3A_74, %cond3A_75 : i32
        scf.if %cond3A_76 {
          %add3A_85 = arith.constant 1 : i32
          %add3A_86 = arith.addi %add3A_69, %add3A_85 : i32
          %mul3A_87 = arith.constant 128 : i32
          %mul3A_88 = arith.muli %add3A_86, %mul3A_87 : i32
          %dma_start3A_89 = tpu.memref_slice %arg6[%mul3A_88] : memref<5120xi32, #tpu.memory_space<vmem>> -> memref<128xi32, #tpu.memory_space<vmem>>
          %dma_start3A_90 = arith.constant 0 : i32
          %dma_start3A_91 = arith.constant 0 : i32
          %dma_start3A_92 = tpu.memref_slice %arg2[%dma_start3A_90, %dma_start3A_91] : memref<10112x128xf32, #tpu.memory_space<hbm>> -> memref<10112x128xf32, #tpu.memory_space<hbm>>
          tpu.enqueue_indirect_dma source(%dma_start3A_92 : memref<10112x128xf32, #tpu.memory_space<hbm>>) target(%arg8 : memref<128x128xf32, #tpu.memory_space<vmem>>) offsets(%dma_start3A_89 : memref<128xi32, #tpu.memory_space<vmem>>) semaphore(%arg11 : memref<!tpu.dma_semaphore, #tpu.memory_space<semaphore_mem>>)
        } else {
        }
        %mul3A_77 = arith.constant 128 : i32
        %mul3A_78 = arith.muli %add3A_69, %mul3A_77 : i32
        %dma_wait3A_79 = tpu.memref_slice %arg6[%mul3A_78] : memref<5120xi32, #tpu.memory_space<vmem>> -> memref<128xi32, #tpu.memory_space<vmem>>
        %dma_wait3A_80 = arith.constant 0 : i32
        %dma_wait3A_81 = arith.constant 0 : i32
        %dma_wait3A_82 = tpu.memref_slice %arg2[%dma_wait3A_80, %dma_wait3A_81] : memref<10112x128xf32, #tpu.memory_space<hbm>> -> memref<10112x128xf32, #tpu.memory_space<hbm>>
        tpu.wait_indirect_dma semaphore(%arg12 : memref<!tpu.dma_semaphore, #tpu.memory_space<semaphore_mem>>) src(%dma_wait3A_82 : memref<10112x128xf32, #tpu.memory_space<hbm>>) dst(%arg9 : memref<128x128xf32, #tpu.memory_space<vmem>>)
        %mul3A_83 = arith.constant 128 : i32
        %mul3A_84 = arith.muli %add3A_69, %mul3A_83 : i32
        "tpu.region"() ({
          %run_scoped3A_85 = tpu.sem_alloc : memref<!tpu.dma_semaphore, #tpu.memory_space<semaphore_mem>>
          %dma_start3A_86 = tpu.memref_slice %arg7[%mul3A_84] : memref<5120xi32, #tpu.memory_space<vmem>> -> memref<128xi32, #tpu.memory_space<vmem>>
          %dma_start3A_87 = arith.constant 0 : i32
          %dma_start3A_88 = arith.constant 0 : i32
          %dma_start3A_89 = tpu.memref_slice %arg10[%dma_start3A_87, %dma_start3A_88] : memref<10112x128xf32, #tpu.memory_space<vmem_shared>> -> memref<10112x128xf32, #tpu.memory_space<vmem_shared>>
          tpu.enqueue_indirect_dma source(%arg9 : memref<128x128xf32, #tpu.memory_space<vmem>>) target(%dma_start3A_89 : memref<10112x128xf32, #tpu.memory_space<vmem_shared>>) offsets(%dma_start3A_86 : memref<128xi32, #tpu.memory_space<vmem>>) semaphore(%run_scoped3A_85 : memref<!tpu.dma_semaphore, #tpu.memory_space<semaphore_mem>>) {add = true}
          %dma_wait3A_90 = tpu.memref_slice %arg7[%mul3A_84] : memref<5120xi32, #tpu.memory_space<vmem>> -> memref<128xi32, #tpu.memory_space<vmem>>
          %dma_wait3A_91 = arith.constant 0 : i32
          %dma_wait3A_92 = arith.constant 0 : i32
          %dma_wait3A_93 = tpu.memref_slice %arg10[%dma_wait3A_91, %dma_wait3A_92] : memref<10112x128xf32, #tpu.memory_space<vmem_shared>> -> memref<10112x128xf32, #tpu.memory_space<vmem_shared>>
          tpu.wait_indirect_dma semaphore(%run_scoped3A_85 : memref<!tpu.dma_semaphore, #tpu.memory_space<semaphore_mem>>) src(%arg9 : memref<128x128xf32, #tpu.memory_space<vmem>>) dst(%dma_wait3A_93 : memref<10112x128xf32, #tpu.memory_space<vmem_shared>>)
          tpu.yield
        }) : () -> ()
      }
      %scan3A_50 = arith.constant 20 : i32
    } else {
    }
    %eq3A = arith.constant 31 : i32
    %eq3A_5 = arith.cmpi eq, %add3A, %eq3A : i32
    %convert_element_type3A_6 = arith.extui %eq3A_5 : i1 to i32
    %cond3A_7 = arith.constant 0 : i32
    %cond3A_8 = arith.cmpi ne, %convert_element_type3A_6, %cond3A_7 : i32
    scf.if %cond3A_8 {
      %run_scoped3A = arith.constant 1 : i32
      "tpu.region"() ({
        %run_scoped3A_24 = tpu.sem_alloc : memref<!tpu.dma_semaphore, #tpu.memory_space<semaphore_mem>>
        %dma_start3A_25 = arith.constant 0 : i32
        %dma_start3A_26 = tpu.memref_slice %arg6[%dma_start3A_25] : memref<5120xi32, #tpu.memory_space<vmem>> -> memref<2560xi32, #tpu.memory_space<vmem>>
        %dma_start3A_27 = arith.constant 317440 : i32
        %dma_start3A_28 = tpu.memref_slice %arg3[%run_scoped3A, %dma_start3A_27] : memref<2x320000xi32, #tpu.memory_space<hbm>> -> memref<1x2560xi32, #tpu.memory_space<hbm>>
        %dma_start3A_29 = tpu.memref_squeeze %dma_start3A_28 : memref<1x2560xi32, #tpu.memory_space<hbm>> -> memref<2560xi32, #tpu.memory_space<hbm>>
        %dma_start3A_30 = arith.constant 0 : i32
        %dma_start3A_31 = tpu.memref_slice %arg6[%dma_start3A_30] : memref<5120xi32, #tpu.memory_space<vmem>> -> memref<2560xi32, #tpu.memory_space<vmem>>
        %dma_start3A_32 = arith.constant 317440 : i32
        %dma_start3A_33 = tpu.memref_slice %arg3[%run_scoped3A, %dma_start3A_32] : memref<2x320000xi32, #tpu.memory_space<hbm>> -> memref<1x2560xi32, #tpu.memory_space<hbm>>
        %dma_start3A_34 = tpu.memref_squeeze %dma_start3A_33 : memref<1x2560xi32, #tpu.memory_space<hbm>> -> memref<2560xi32, #tpu.memory_space<hbm>>
        tpu.enqueue_dma source(%dma_start3A_34 : memref<2560xi32, #tpu.memory_space<hbm>>) target(%dma_start3A_31 : memref<2560xi32, #tpu.memory_space<vmem>>) target_semaphore(%run_scoped3A_24 : memref<!tpu.dma_semaphore, #tpu.memory_space<semaphore_mem>>)
        %dma_wait3A = arith.constant 0 : i32
        %dma_wait3A_35 = tpu.memref_slice %arg6[%dma_wait3A] : memref<5120xi32, #tpu.memory_space<vmem>> -> memref<2560xi32, #tpu.memory_space<vmem>>
        %dma_wait3A_36 = arith.constant 317440 : i32
        %dma_wait3A_37 = tpu.memref_slice %arg3[%run_scoped3A, %dma_wait3A_36] : memref<2x320000xi32, #tpu.memory_space<hbm>> -> memref<1x2560xi32, #tpu.memory_space<hbm>>
        %dma_wait3A_38 = tpu.memref_squeeze %dma_wait3A_37 : memref<1x2560xi32, #tpu.memory_space<hbm>> -> memref<2560xi32, #tpu.memory_space<hbm>>
        %dma_wait3A_39 = arith.constant 0 : i32
        %dma_wait3A_40 = tpu.memref_slice %arg6[%dma_wait3A_39] : memref<5120xi32, #tpu.memory_space<vmem>> -> memref<2560xi32, #tpu.memory_space<vmem>>
        %dma_wait3A_41 = arith.constant 317440 : i32
        %dma_wait3A_42 = tpu.memref_slice %arg3[%run_scoped3A, %dma_wait3A_41] : memref<2x320000xi32, #tpu.memory_space<hbm>> -> memref<1x2560xi32, #tpu.memory_space<hbm>>
        %dma_wait3A_43 = tpu.memref_squeeze %dma_wait3A_42 : memref<1x2560xi32, #tpu.memory_space<hbm>> -> memref<2560xi32, #tpu.memory_space<hbm>>
        tpu.wait_dma2 semaphore(%run_scoped3A_24 : memref<!tpu.dma_semaphore, #tpu.memory_space<semaphore_mem>>) src(%dma_wait3A_43 : memref<2560xi32, #tpu.memory_space<hbm>>) dst(%dma_wait3A_40 : memref<2560xi32, #tpu.memory_space<vmem>>)
        tpu.yield
      }) : () -> ()
      %run_scoped3A_14 = arith.constant 0 : i32
      "tpu.region"() ({
        %run_scoped3A_24 = tpu.sem_alloc : memref<!tpu.dma_semaphore, #tpu.memory_space<semaphore_mem>>
        %dma_start3A_25 = arith.constant 0 : i32
        %dma_start3A_26 = tpu.memref_slice %arg7[%dma_start3A_25] : memref<5120xi32, #tpu.memory_space<vmem>> -> memref<2560xi32, #tpu.memory_space<vmem>>
        %dma_start3A_27 = arith.constant 317440 : i32
        %dma_start3A_28 = tpu.memref_slice %arg3[%run_scoped3A_14, %dma_start3A_27] : memref<2x320000xi32, #tpu.memory_space<hbm>> -> memref<1x2560xi32, #tpu.memory_space<hbm>>
        %dma_start3A_29 = tpu.memref_squeeze %dma_start3A_28 : memref<1x2560xi32, #tpu.memory_space<hbm>> -> memref<2560xi32, #tpu.memory_space<hbm>>
        %dma_start3A_30 = arith.constant 0 : i32
        %dma_start3A_31 = tpu.memref_slice %arg7[%dma_start3A_30] : memref<5120xi32, #tpu.memory_space<vmem>> -> memref<2560xi32, #tpu.memory_space<vmem>>
        %dma_start3A_32 = arith.constant 317440 : i32
        %dma_start3A_33 = tpu.memref_slice %arg3[%run_scoped3A_14, %dma_start3A_32] : memref<2x320000xi32, #tpu.memory_space<hbm>> -> memref<1x2560xi32, #tpu.memory_space<hbm>>
        %dma_start3A_34 = tpu.memref_squeeze %dma_start3A_33 : memref<1x2560xi32, #tpu.memory_space<hbm>> -> memref<2560xi32, #tpu.memory_space<hbm>>
        tpu.enqueue_dma source(%dma_start3A_34 : memref<2560xi32, #tpu.memory_space<hbm>>) target(%dma_start3A_31 : memref<2560xi32, #tpu.memory_space<vmem>>) target_semaphore(%run_scoped3A_24 : memref<!tpu.dma_semaphore, #tpu.memory_space<semaphore_mem>>)
        %dma_wait3A = arith.constant 0 : i32
        %dma_wait3A_35 = tpu.memref_slice %arg7[%dma_wait3A] : memref<5120xi32, #tpu.memory_space<vmem>> -> memref<2560xi32, #tpu.memory_space<vmem>>
        %dma_wait3A_36 = arith.constant 317440 : i32
        %dma_wait3A_37 = tpu.memref_slice %arg3[%run_scoped3A_14, %dma_wait3A_36] : memref<2x320000xi32, #tpu.memory_space<hbm>> -> memref<1x2560xi32, #tpu.memory_space<hbm>>
        %dma_wait3A_38 = tpu.memref_squeeze %dma_wait3A_37 : memref<1x2560xi32, #tpu.memory_space<hbm>> -> memref<2560xi32, #tpu.memory_space<hbm>>
        %dma_wait3A_39 = arith.constant 0 : i32
        %dma_wait3A_40 = tpu.memref_slice %arg7[%dma_wait3A_39] : memref<5120xi32, #tpu.memory_space<vmem>> -> memref<2560xi32, #tpu.memory_space<vmem>>
        %dma_wait3A_41 = arith.constant 317440 : i32
        %dma_wait3A_42 = tpu.memref_slice %arg3[%run_scoped3A_14, %dma_wait3A_41] : memref<2x320000xi32, #tpu.memory_space<hbm>> -> memref<1x2560xi32, #tpu.memory_space<hbm>>
        %dma_wait3A_43 = tpu.memref_squeeze %dma_wait3A_42 : memref<1x2560xi32, #tpu.memory_space<hbm>> -> memref<2560xi32, #tpu.memory_space<hbm>>
        tpu.wait_dma2 semaphore(%run_scoped3A_24 : memref<!tpu.dma_semaphore, #tpu.memory_space<semaphore_mem>>) src(%dma_wait3A_43 : memref<2560xi32, #tpu.memory_space<hbm>>) dst(%dma_wait3A_40 : memref<2560xi32, #tpu.memory_space<vmem>>)
        tpu.yield
      }) : () -> ()
      %dma_start3A = arith.constant 0 : i32
      %dma_start3A_15 = tpu.memref_slice %arg6[%dma_start3A] : memref<5120xi32, #tpu.memory_space<vmem>> -> memref<128xi32, #tpu.memory_space<vmem>>
      %dma_start3A_16 = arith.constant 0 : i32
      %dma_start3A_17 = arith.constant 0 : i32
      %dma_start3A_18 = tpu.memref_slice %arg2[%dma_start3A_16, %dma_start3A_17] : memref<10112x128xf32, #tpu.memory_space<hbm>> -> memref<10112x128xf32, #tpu.memory_space<hbm>>
      tpu.enqueue_indirect_dma source(%dma_start3A_18 : memref<10112x128xf32, #tpu.memory_space<hbm>>) target(%arg8 : memref<128x128xf32, #tpu.memory_space<vmem>>) offsets(%dma_start3A_15 : memref<128xi32, #tpu.memory_space<vmem>>) semaphore(%arg11 : memref<!tpu.dma_semaphore, #tpu.memory_space<semaphore_mem>>)
      %scan3A = arith.constant 0 : i32
      %scan3A_19 = arith.constant 0 : i32
      %scan3A_20 = arith.constant 10 : i32
      %scan3A_21 = arith.addi %scan3A_19, %scan3A_20 : i32
      %scan3A_22 = arith.constant 1 : i32
      scf.for %scan3A_24 = %scan3A_19 to %scan3A_21 step %scan3A_22  : i32 {
        %mul3A_25 = arith.constant 2 : i32
        %mul3A_26 = arith.muli %mul3A_25, %scan3A_24 : i32
        %add3A_27 = arith.constant 1 : i32
        %add3A_28 = arith.addi %mul3A_26, %add3A_27 : i32
        %lt3A_29 = arith.constant 20 : i32
        %lt3A_30 = arith.cmpi slt, %add3A_28, %lt3A_29 : i32
        %convert_element_type3A_31 = arith.extui %lt3A_30 : i1 to i32
        %cond3A_32 = arith.constant 0 : i32
        %cond3A_33 = arith.cmpi ne, %convert_element_type3A_31, %cond3A_32 : i32
        scf.if %cond3A_33 {
          %add3A_58 = arith.constant 1 : i32
          %add3A_59 = arith.addi %mul3A_26, %add3A_58 : i32
          %mul3A_60 = arith.constant 128 : i32
          %mul3A_61 = arith.muli %add3A_59, %mul3A_60 : i32
          %dma_start3A_62 = tpu.memref_slice %arg6[%mul3A_61] : memref<5120xi32, #tpu.memory_space<vmem>> -> memref<128xi32, #tpu.memory_space<vmem>>
          %dma_start3A_63 = arith.constant 0 : i32
          %dma_start3A_64 = arith.constant 0 : i32
          %dma_start3A_65 = tpu.memref_slice %arg2[%dma_start3A_63, %dma_start3A_64] : memref<10112x128xf32, #tpu.memory_space<hbm>> -> memref<10112x128xf32, #tpu.memory_space<hbm>>
          tpu.enqueue_indirect_dma source(%dma_start3A_65 : memref<10112x128xf32, #tpu.memory_space<hbm>>) target(%arg9 : memref<128x128xf32, #tpu.memory_space<vmem>>) offsets(%dma_start3A_62 : memref<128xi32, #tpu.memory_space<vmem>>) semaphore(%arg12 : memref<!tpu.dma_semaphore, #tpu.memory_space<semaphore_mem>>)
        } else {
        }
        %mul3A_34 = arith.constant 128 : i32
        %mul3A_35 = arith.muli %mul3A_26, %mul3A_34 : i32
        %dma_wait3A = tpu.memref_slice %arg6[%mul3A_35] : memref<5120xi32, #tpu.memory_space<vmem>> -> memref<128xi32, #tpu.memory_space<vmem>>
        %dma_wait3A_36 = arith.constant 0 : i32
        %dma_wait3A_37 = arith.constant 0 : i32
        %dma_wait3A_38 = tpu.memref_slice %arg2[%dma_wait3A_36, %dma_wait3A_37] : memref<10112x128xf32, #tpu.memory_space<hbm>> -> memref<10112x128xf32, #tpu.memory_space<hbm>>
        tpu.wait_indirect_dma semaphore(%arg11 : memref<!tpu.dma_semaphore, #tpu.memory_space<semaphore_mem>>) src(%dma_wait3A_38 : memref<10112x128xf32, #tpu.memory_space<hbm>>) dst(%arg8 : memref<128x128xf32, #tpu.memory_space<vmem>>)
        %mul3A_39 = arith.constant 128 : i32
        %mul3A_40 = arith.muli %mul3A_26, %mul3A_39 : i32
        "tpu.region"() ({
          %run_scoped3A_58 = tpu.sem_alloc : memref<!tpu.dma_semaphore, #tpu.memory_space<semaphore_mem>>
          %dma_start3A_59 = tpu.memref_slice %arg7[%mul3A_40] : memref<5120xi32, #tpu.memory_space<vmem>> -> memref<128xi32, #tpu.memory_space<vmem>>
          %dma_start3A_60 = arith.constant 0 : i32
          %dma_start3A_61 = arith.constant 0 : i32
          %dma_start3A_62 = tpu.memref_slice %arg10[%dma_start3A_60, %dma_start3A_61] : memref<10112x128xf32, #tpu.memory_space<vmem_shared>> -> memref<10112x128xf32, #tpu.memory_space<vmem_shared>>
          tpu.enqueue_indirect_dma source(%arg8 : memref<128x128xf32, #tpu.memory_space<vmem>>) target(%dma_start3A_62 : memref<10112x128xf32, #tpu.memory_space<vmem_shared>>) offsets(%dma_start3A_59 : memref<128xi32, #tpu.memory_space<vmem>>) semaphore(%run_scoped3A_58 : memref<!tpu.dma_semaphore, #tpu.memory_space<semaphore_mem>>) {add = true}
          %dma_wait3A_63 = tpu.memref_slice %arg7[%mul3A_40] : memref<5120xi32, #tpu.memory_space<vmem>> -> memref<128xi32, #tpu.memory_space<vmem>>
          %dma_wait3A_64 = arith.constant 0 : i32
          %dma_wait3A_65 = arith.constant 0 : i32
          %dma_wait3A_66 = tpu.memref_slice %arg10[%dma_wait3A_64, %dma_wait3A_65] : memref<10112x128xf32, #tpu.memory_space<vmem_shared>> -> memref<10112x128xf32, #tpu.memory_space<vmem_shared>>
          tpu.wait_indirect_dma semaphore(%run_scoped3A_58 : memref<!tpu.dma_semaphore, #tpu.memory_space<semaphore_mem>>) src(%arg8 : memref<128x128xf32, #tpu.memory_space<vmem>>) dst(%dma_wait3A_66 : memref<10112x128xf32, #tpu.memory_space<vmem_shared>>)
          tpu.yield
        }) : () -> ()
        %add3A_41 = arith.constant 1 : i32
        %add3A_42 = arith.addi %mul3A_26, %add3A_41 : i32
        %add3A_43 = arith.constant 1 : i32
        %add3A_44 = arith.addi %add3A_42, %add3A_43 : i32
        %lt3A_45 = arith.constant 20 : i32
        %lt3A_46 = arith.cmpi slt, %add3A_44, %lt3A_45 : i32
        %convert_element_type3A_47 = arith.extui %lt3A_46 : i1 to i32
        %cond3A_48 = arith.constant 0 : i32
        %cond3A_49 = arith.cmpi ne, %convert_element_type3A_47, %cond3A_48 : i32
        scf.if %cond3A_49 {
          %add3A_58 = arith.constant 1 : i32
          %add3A_59 = arith.addi %add3A_42, %add3A_58 : i32
          %mul3A_60 = arith.constant 128 : i32
          %mul3A_61 = arith.muli %add3A_59, %mul3A_60 : i32
          %dma_start3A_62 = tpu.memref_slice %arg6[%mul3A_61] : memref<5120xi32, #tpu.memory_space<vmem>> -> memref<128xi32, #tpu.memory_space<vmem>>
          %dma_start3A_63 = arith.constant 0 : i32
          %dma_start3A_64 = arith.constant 0 : i32
          %dma_start3A_65 = tpu.memref_slice %arg2[%dma_start3A_63, %dma_start3A_64] : memref<10112x128xf32, #tpu.memory_space<hbm>> -> memref<10112x128xf32, #tpu.memory_space<hbm>>
          tpu.enqueue_indirect_dma source(%dma_start3A_65 : memref<10112x128xf32, #tpu.memory_space<hbm>>) target(%arg8 : memref<128x128xf32, #tpu.memory_space<vmem>>) offsets(%dma_start3A_62 : memref<128xi32, #tpu.memory_space<vmem>>) semaphore(%arg11 : memref<!tpu.dma_semaphore, #tpu.memory_space<semaphore_mem>>)
        } else {
        }
        %mul3A_50 = arith.constant 128 : i32
        %mul3A_51 = arith.muli %add3A_42, %mul3A_50 : i32
        %dma_wait3A_52 = tpu.memref_slice %arg6[%mul3A_51] : memref<5120xi32, #tpu.memory_space<vmem>> -> memref<128xi32, #tpu.memory_space<vmem>>
        %dma_wait3A_53 = arith.constant 0 : i32
        %dma_wait3A_54 = arith.constant 0 : i32
        %dma_wait3A_55 = tpu.memref_slice %arg2[%dma_wait3A_53, %dma_wait3A_54] : memref<10112x128xf32, #tpu.memory_space<hbm>> -> memref<10112x128xf32, #tpu.memory_space<hbm>>
        tpu.wait_indirect_dma semaphore(%arg12 : memref<!tpu.dma_semaphore, #tpu.memory_space<semaphore_mem>>) src(%dma_wait3A_55 : memref<10112x128xf32, #tpu.memory_space<hbm>>) dst(%arg9 : memref<128x128xf32, #tpu.memory_space<vmem>>)
        %mul3A_56 = arith.constant 128 : i32
        %mul3A_57 = arith.muli %add3A_42, %mul3A_56 : i32
        "tpu.region"() ({
          %run_scoped3A_58 = tpu.sem_alloc : memref<!tpu.dma_semaphore, #tpu.memory_space<semaphore_mem>>
          %dma_start3A_59 = tpu.memref_slice %arg7[%mul3A_57] : memref<5120xi32, #tpu.memory_space<vmem>> -> memref<128xi32, #tpu.memory_space<vmem>>
          %dma_start3A_60 = arith.constant 0 : i32
          %dma_start3A_61 = arith.constant 0 : i32
          %dma_start3A_62 = tpu.memref_slice %arg10[%dma_start3A_60, %dma_start3A_61] : memref<10112x128xf32, #tpu.memory_space<vmem_shared>> -> memref<10112x128xf32, #tpu.memory_space<vmem_shared>>
          tpu.enqueue_indirect_dma source(%arg9 : memref<128x128xf32, #tpu.memory_space<vmem>>) target(%dma_start3A_62 : memref<10112x128xf32, #tpu.memory_space<vmem_shared>>) offsets(%dma_start3A_59 : memref<128xi32, #tpu.memory_space<vmem>>) semaphore(%run_scoped3A_58 : memref<!tpu.dma_semaphore, #tpu.memory_space<semaphore_mem>>) {add = true}
          %dma_wait3A_63 = tpu.memref_slice %arg7[%mul3A_57] : memref<5120xi32, #tpu.memory_space<vmem>> -> memref<128xi32, #tpu.memory_space<vmem>>
          %dma_wait3A_64 = arith.constant 0 : i32
          %dma_wait3A_65 = arith.constant 0 : i32
          %dma_wait3A_66 = tpu.memref_slice %arg10[%dma_wait3A_64, %dma_wait3A_65] : memref<10112x128xf32, #tpu.memory_space<vmem_shared>> -> memref<10112x128xf32, #tpu.memory_space<vmem_shared>>
          tpu.wait_indirect_dma semaphore(%run_scoped3A_58 : memref<!tpu.dma_semaphore, #tpu.memory_space<semaphore_mem>>) src(%arg9 : memref<128x128xf32, #tpu.memory_space<vmem>>) dst(%dma_wait3A_66 : memref<10112x128xf32, #tpu.memory_space<vmem_shared>>)
          tpu.yield
        }) : () -> ()
      }
      %scan3A_23 = arith.constant 10 : i32
    } else {
    }
    %barrier3A_9 = arith.constant 0 : index
    tpu.barrier barrier_id(%barrier3A_9)
    %mul3A_10 = arith.constant 632 : i32
    %mul3A_11 = arith.muli %arg1, %mul3A_10 : i32
    %mul3A_12 = arith.constant 632 : i32
    %mul3A_13 = arith.muli %arg1, %mul3A_12 : i32
    "tpu.region"() ({
      %run_scoped3A = tpu.sem_alloc : memref<!tpu.dma_semaphore, #tpu.memory_space<semaphore_mem>>
      %dma_start3A = arith.constant 0 : i32
      %dma_start3A_14 = tpu.memref_slice %arg5[%arg0, %mul3A_13, %dma_start3A] : memref<2x10112x128xf32, #tpu.memory_space<hbm>> -> memref<1x632x128xf32, #tpu.memory_space<hbm>>
      %dma_start3A_15 = tpu.memref_squeeze %dma_start3A_14 : memref<1x632x128xf32, #tpu.memory_space<hbm>> -> memref<632x128xf32, #tpu.memory_space<hbm>>
      %dma_start3A_16 = arith.constant 0 : i32
      %dma_start3A_17 = tpu.memref_slice %arg10[%mul3A_11, %dma_start3A_16] : memref<10112x128xf32, #tpu.memory_space<vmem_shared>> -> memref<632x128xf32, #tpu.memory_space<vmem_shared>>
      tpu.enqueue_dma source(%dma_start3A_17 : memref<632x128xf32, #tpu.memory_space<vmem_shared>>) target(%dma_start3A_15 : memref<632x128xf32, #tpu.memory_space<hbm>>) target_semaphore(%run_scoped3A : memref<!tpu.dma_semaphore, #tpu.memory_space<semaphore_mem>>)
      %dma_wait3A = arith.constant 0 : i32
      %dma_wait3A_18 = tpu.memref_slice %arg5[%arg0, %mul3A_13, %dma_wait3A] : memref<2x10112x128xf32, #tpu.memory_space<hbm>> -> memref<1x632x128xf32, #tpu.memory_space<hbm>>
      %dma_wait3A_19 = tpu.memref_squeeze %dma_wait3A_18 : memref<1x632x128xf32, #tpu.memory_space<hbm>> -> memref<632x128xf32, #tpu.memory_space<hbm>>
      %dma_wait3A_20 = arith.constant 0 : i32
      %dma_wait3A_21 = tpu.memref_slice %arg10[%mul3A_11, %dma_wait3A_20] : memref<10112x128xf32, #tpu.memory_space<vmem_shared>> -> memref<632x128xf32, #tpu.memory_space<vmem_shared>>
      tpu.wait_dma2 semaphore(%run_scoped3A : memref<!tpu.dma_semaphore, #tpu.memory_space<semaphore_mem>>) src(%dma_wait3A_21 : memref<632x128xf32, #tpu.memory_space<vmem_shared>>) dst(%dma_wait3A_19 : memref<632x128xf32, #tpu.memory_space<hbm>>)
      tpu.yield
    }) : () -> ()
    return
  }
}

module attributes {stable_mosaic.version = 14 : i64} {
  func.func @_final_body(%arg0: i32, %arg1: memref<1000x128xf32, #tpu.memory_space<vmem>>, %arg2: memref<1000x128xf32, #tpu.memory_space<vmem>>, %arg3: memref<1x1000x128xf32, #tpu.memory_space<vmem>>, %arg4: memref<1x1000x128xf32, #tpu.memory_space<vmem>>, %arg5: memref<128x128xf32, #tpu.memory_space<vmem>>, %arg6: memref<128x128xf32, #tpu.memory_space<vmem>>, %arg7: memref<128x128xf32, #tpu.memory_space<vmem>>, %arg8: memref<1x128xf32, #tpu.memory_space<vmem>>, %arg9: memref<1000x128xf32, #tpu.memory_space<vmem>>) attributes {dimension_semantics = [#tpu.dimension_semantics<arbitrary>], iteration_bounds = array<i64: 10>, scalar_prefetch = 0 : i64, scratch_operands = 0 : i64, tpu.core_type = #tpu.core_type<tc>, window_params = [{transform_indices = @transform_0, window_bounds = array<i64: 1000, 128>}, {transform_indices = @transform_1, window_bounds = array<i64: 1000, 128>}, {transform_indices = @transform_2, window_bounds = array<i64: 1, 1000, 128>}, {transform_indices = @transform_3, window_bounds = array<i64: 1, 1000, 128>}, {pipeline_mode = #tpu.pipeline_mode<synchronous>, transform_indices = @transform_4, window_bounds = array<i64: 128, 128>}, {pipeline_mode = #tpu.pipeline_mode<synchronous>, transform_indices = @transform_5, window_bounds = array<i64: 128, 128>}, {pipeline_mode = #tpu.pipeline_mode<synchronous>, transform_indices = @transform_6, window_bounds = array<i64: 128, 128>}, {pipeline_mode = #tpu.pipeline_mode<synchronous>, transform_indices = @transform_7, window_bounds = array<i64: 1, 128>}, {transform_indices = @transform_8, window_bounds = array<i64: 1000, 128>}]} {
    %get3A = arith.constant 0 : index
    %get3A_0 = arith.constant 0 : index
    %get3A_1 = arith.constant 0 : index
    %get3A_2 = vector.load %arg3[%get3A, %get3A_0, %get3A_1] : memref<1x1000x128xf32, #tpu.memory_space<vmem>>, vector<1x1000x128xf32>
    %get3A_3 = vector.shape_cast %get3A_2 : vector<1x1000x128xf32> to vector<1000x128xf32>
    %get3A_4 = arith.constant 0 : index
    %get3A_5 = arith.constant 0 : index
    %get3A_6 = arith.constant 0 : index
    %get3A_7 = vector.load %arg4[%get3A_4, %get3A_5, %get3A_6] : memref<1x1000x128xf32, #tpu.memory_space<vmem>>, vector<1x1000x128xf32>
    %get3A_8 = vector.shape_cast %get3A_7 : vector<1x1000x128xf32> to vector<1000x128xf32>
    %add3A = arith.addf %get3A_3, %get3A_8 : vector<1000x128xf32>
    %get3A_9 = arith.constant 0 : index
    %get3A_10 = arith.constant 0 : index
    %get3A_11 = vector.load %arg1[%get3A_9, %get3A_10] : memref<1000x128xf32, #tpu.memory_space<vmem>>, vector<1000x128xf32>
    %get3A_12 = arith.constant 0 : index
    %get3A_13 = arith.constant 0 : index
    %get3A_14 = vector.load %arg5[%get3A_12, %get3A_13] : memref<128x128xf32, #tpu.memory_space<vmem>>, vector<128x128xf32>
    %dot_general3A = arith.constant dense<0.000000e+00> : vector<1000x128xf32>
    %dot_general3A_15 = tpu.matmul %get3A_11, %get3A_14, %dot_general3A {dimension_numbers = #tpu.dot_dimension_numbers<[1], [0], [0], [1], [0, 0, 1, 1], [], []>, transpose_lhs_hint = false} : vector<1000x128xf32>, vector<128x128xf32>, vector<1000x128xf32> -> vector<1000x128xf32>
    %get3A_16 = arith.constant 0 : index
    %get3A_17 = arith.constant 0 : index
    %get3A_18 = vector.load %arg2[%get3A_16, %get3A_17] : memref<1000x128xf32, #tpu.memory_space<vmem>>, vector<1000x128xf32>
    %get3A_19 = arith.constant 0 : index
    %get3A_20 = arith.constant 0 : index
    %get3A_21 = vector.load %arg6[%get3A_19, %get3A_20] : memref<128x128xf32, #tpu.memory_space<vmem>>, vector<128x128xf32>
    %dot_general3A_22 = arith.constant dense<0.000000e+00> : vector<1000x128xf32>
    %dot_general3A_23 = tpu.matmul %get3A_18, %get3A_21, %dot_general3A_22 {dimension_numbers = #tpu.dot_dimension_numbers<[1], [0], [0], [1], [0, 0, 1, 1], [], []>, transpose_lhs_hint = false} : vector<1000x128xf32>, vector<128x128xf32>, vector<1000x128xf32> -> vector<1000x128xf32>
    %add3A_24 = arith.addf %dot_general3A_15, %dot_general3A_23 : vector<1000x128xf32>
    %get3A_25 = arith.constant 0 : index
    %get3A_26 = arith.constant 0 : index
    %get3A_27 = vector.load %arg7[%get3A_25, %get3A_26] : memref<128x128xf32, #tpu.memory_space<vmem>>, vector<128x128xf32>
    %dot_general3A_28 = arith.constant dense<0.000000e+00> : vector<1000x128xf32>
    %dot_general3A_29 = tpu.matmul %add3A, %get3A_27, %dot_general3A_28 {dimension_numbers = #tpu.dot_dimension_numbers<[1], [0], [0], [1], [0, 0, 1, 1], [], []>, transpose_lhs_hint = false} : vector<1000x128xf32>, vector<128x128xf32>, vector<1000x128xf32> -> vector<1000x128xf32>
    %add3A_30 = arith.addf %add3A_24, %dot_general3A_29 : vector<1000x128xf32>
    %get3A_31 = arith.constant 0 : index
    %get3A_32 = arith.constant 0 : index
    %get3A_33 = vector.load %arg8[%get3A_31, %get3A_32] : memref<1x128xf32, #tpu.memory_space<vmem>>, vector<1x128xf32>
    %add3A_34 = vector.broadcast %get3A_33 : vector<1x128xf32> to vector<1000x128xf32>
    %add3A_35 = arith.addf %add3A_30, %add3A_34 : vector<1000x128xf32>
    %swap3A = arith.constant 0 : index
    %swap3A_36 = arith.constant 0 : index
    %swap3A_37 = vector.load %arg9[%swap3A, %swap3A_36] : memref<1000x128xf32, #tpu.memory_space<vmem>>, vector<1000x128xf32>
    tpu.vector_store %arg9[%swap3A, %swap3A_36], %add3A_35 {strides = array<i32>} : memref<1000x128xf32, #tpu.memory_space<vmem>>, vector<1000x128xf32>,
    return
  }
  func.func @transform_0(%arg0: i32) -> (i32, i32) {
    %c0_i32 = arith.constant 0 : i32
    %c0_i32_0 = arith.constant 0 : i32
    return %arg0, %c0_i32 : i32, i32
  }
  func.func @transform_1(%arg0: i32) -> (i32, i32) {
    %c0_i32 = arith.constant 0 : i32
    %c0_i32_0 = arith.constant 0 : i32
    return %arg0, %c0_i32 : i32, i32
  }
  func.func @transform_2(%arg0: i32) -> (i32, i32, i32) {
    %c0_i32 = arith.constant 0 : i32
    %c0_i32_0 = arith.constant 0 : i32
    %c0_i32_1 = arith.constant 0 : i32
    return %c0_i32, %arg0, %c0_i32_0 : i32, i32, i32
  }
  func.func @transform_3(%arg0: i32) -> (i32, i32, i32) {
    %c1_i32 = arith.constant 1 : i32
    %c0_i32 = arith.constant 0 : i32
    %c0_i32_0 = arith.constant 0 : i32
    return %c1_i32, %arg0, %c0_i32 : i32, i32, i32
  }
  func.func @transform_4(%arg0: i32) -> (i32, i32) {
    %c0_i32 = arith.constant 0 : i32
    %c0_i32_0 = arith.constant 0 : i32
    %c0_i32_1 = arith.constant 0 : i32
    return %c0_i32, %c0_i32_0 : i32, i32
  }
  func.func @transform_5(%arg0: i32) -> (i32, i32) {
    %c0_i32 = arith.constant 0 : i32
    %c0_i32_0 = arith.constant 0 : i32
    %c0_i32_1 = arith.constant 0 : i32
    return %c0_i32, %c0_i32_0 : i32, i32
  }
  func.func @transform_6(%arg0: i32) -> (i32, i32) {
    %c0_i32 = arith.constant 0 : i32
    %c0_i32_0 = arith.constant 0 : i32
    %c0_i32_1 = arith.constant 0 : i32
    return %c0_i32, %c0_i32_0 : i32, i32
  }
  func.func @transform_7(%arg0: i32) -> (i32, i32) {
    %c0_i32 = arith.constant 0 : i32
    %c0_i32_0 = arith.constant 0 : i32
    %c0_i32_1 = arith.constant 0 : i32
    return %c0_i32, %c0_i32_0 : i32, i32
  }
  func.func @transform_8(%arg0: i32) -> (i32, i32) {
    %c0_i32 = arith.constant 0 : i32
    %c0_i32_0 = arith.constant 0 : i32
    return %arg0, %c0_i32 : i32, i32
  }
}

module attributes {stable_mosaic.version = 14 : i64} {
  func.func @_combine_body(%arg0: i32, %arg1: memref<1x1264x128xf32, #tpu.memory_space<vmem>>, %arg2: memref<1x1264x128xf32, #tpu.memory_space<vmem>>, %arg3: memref<1264x128xf32, #tpu.memory_space<vmem>>) attributes {dimension_semantics = [#tpu.dimension_semantics<arbitrary>], iteration_bounds = array<i64: 8>, scalar_prefetch = 0 : i64, scratch_operands = 0 : i64, tpu.core_type = #tpu.core_type<tc>, window_params = [{transform_indices = @transform_0, window_bounds = array<i64: 1, 1264, 128>}, {transform_indices = @transform_1, window_bounds = array<i64: 1, 1264, 128>}, {transform_indices = @transform_2, window_bounds = array<i64: 1264, 128>}]} {
    %get3A = arith.constant 0 : index
    %get3A_0 = arith.constant 0 : index
    %get3A_1 = arith.constant 0 : index
    %get3A_2 = vector.load %arg1[%get3A, %get3A_0, %get3A_1] : memref<1x1264x128xf32, #tpu.memory_space<vmem>>, vector<1x1264x128xf32>
    %get3A_3 = vector.shape_cast %get3A_2 : vector<1x1264x128xf32> to vector<1264x128xf32>
    %get3A_4 = arith.constant 0 : index
    %get3A_5 = arith.constant 0 : index
    %get3A_6 = arith.constant 0 : index
    %get3A_7 = vector.load %arg2[%get3A_4, %get3A_5, %get3A_6] : memref<1x1264x128xf32, #tpu.memory_space<vmem>>, vector<1x1264x128xf32>
    %get3A_8 = vector.shape_cast %get3A_7 : vector<1x1264x128xf32> to vector<1264x128xf32>
    %add3A = arith.addf %get3A_3, %get3A_8 : vector<1264x128xf32>
    %swap3A = arith.constant 0 : index
    %swap3A_9 = arith.constant 0 : index
    %swap3A_10 = vector.load %arg3[%swap3A, %swap3A_9] : memref<1264x128xf32, #tpu.memory_space<vmem>>, vector<1264x128xf32>
    tpu.vector_store %arg3[%swap3A, %swap3A_9], %add3A {strides = array<i32>} : memref<1264x128xf32, #tpu.memory_space<vmem>>, vector<1264x128xf32>,
    return
  }
  func.func @transform_0(%arg0: i32) -> (i32, i32, i32) {
    %c0_i32 = arith.constant 0 : i32
    %c0_i32_0 = arith.constant 0 : i32
    %c0_i32_1 = arith.constant 0 : i32
    return %c0_i32, %arg0, %c0_i32_0 : i32, i32, i32
  }
  func.func @transform_1(%arg0: i32) -> (i32, i32, i32) {
    %c1_i32 = arith.constant 1 : i32
    %c0_i32 = arith.constant 0 : i32
    %c0_i32_0 = arith.constant 0 : i32
    return %c1_i32, %arg0, %c0_i32 : i32, i32, i32
  }
  func.func @transform_2(%arg0: i32) -> (i32, i32) {
    %c0_i32 = arith.constant 0 : i32
    %c0_i32_0 = arith.constant 0 : i32
    return %arg0, %c0_i32 : i32, i32
  }
}

</mosaic_0001>

<sc_bundles>
// kernel: kernel.6.cloned.1.call-start
scs
__scs_entry_jumppad:
0x0: {  	(pc) =	sbr.rel $0x88, $3  }
0x1: {  	(tag) =	ssettag $0x0;
	lr =	simm.s32 $0x1  }
0x2: {  	[smem:$0x3F9B] =	sst lr;
	_ =	strace $0xD0000000  }
0x3: {  	_ = 	snop  }
0x4: {  	_ = 	snop  }
0x5: {  	_ = 	snop  }
0x6: {  	_ = 	snop  }
0x7: {  	_ = 	snop  }
__scs_overlays_trampoline_lowered:
0x8: {  	[smem:$0x3FAA] =	sst s0  }
0x9: {  	[smem:$0x3FAB] =	sst s1  }
0xa: {  	[smem:$0x3FAC] =	sst s2  }
0xb: {  	[smem:$0x3FAD] =	sst s3  }
0xc: {  	[smem:$0x3FAE] =	sst s4  }
0xd: {  	[smem:$0x3FAF] =	sst s5  }
0xe: {  	[smem:$0x3FB0] =	sst s6  }
0xf: {  	[smem:$0x3FB1] =	sst s7  }
0x10: {  	[smem:$0x3FB2] =	sst s8  }
0x11: {  	[smem:$0x3FB3] =	sst s9;
	s0 =	simm.s32 @!p0 $0x0  }
0x12: {  	s1 =	sld [smem:$0x3F99];
	s0 =	simm.s32 @p0 $0x1  }
0x13: {  	[smem:$0x3FB4] =	sst s0;
	s0 =	simm.s32 @!p1 $0x0  }
0x14: {  	s2 =	sld [smem:$0x3F98];
	s0 =	simm.s32 @p1 $0x1  }
0x15: {  	[smem:$0x3FB5] =	sst s0;
	s0 =	simm.s32 @!p2 $0x0  }
0x16: {  	s3 =	sld [smem:$0x3FDB];
	s0 =	simm.s32 @p2 $0x1  }
0x17: {  	s4 =	simm.s32 $0x1BF5;
	[smem:$0x3FB7] =	sst s0  }
0x18: {  	s0 =	sld [smem:$0x3F9A];
	_ =	swait.ge [sflag:s4], $0x0  }
0x19: {  	s7 =	sld [smem:$0x3F9B]  }
0x1a: {  	s8 =	sadd.s32 $0xFFFFE003, lr  }
0x1b: {  	s9 =	sadd.s32 $0xFFFFFEF7, lr;
	s5 =	simm.s32 $0xFFFFFFFF;
	p2 =	slt.u32 s8, $0xFFFFF086  }
0x1c: {  	p1 =	slt.u32 s9, $0xF7A;
	s5 =	simm.s32 @!p2 $0x0  }
0x1d: {  	s5 =	simm.s32 @p1 $0x1;
	p0 =	seq.s32 s7, s2  }
0x1e: {  	s7 =	smul.u32 @!p0 $0xF7A, s2;
	p2 =	seq.s32 @!p0 s5, $0x0  }
0x1f: {  	s9 =	smul.u32 $0xF7A, s1;
	s8 =	simm.s32 @!p0 $0x1BF5;
	p2 =	por !p2, p0  }
0x20: {  	[sflag:s8] =	ssyncset.s32 @!p0 $0xFFFFF086;
	s6 =	sadd.s32 @!p0 s3, s7;
	s7 =	simm.s32 @!p0 $0x108  }
0x21: {  	s3 =	sadd.s32 s3, s9;
	s6 =	sadd.s32 @!p0 $0x88, s6;
	s7 =	simm.s32 @p2 $0x1082  }
0x22: {  	[simem:s7], [sflag:s8] =	dma.local @!p0 [hbm:s6], $0xF7A  }
0x23: {  	s9 =	sor.u32 $0xD0000000, s2;
	s6 =	simm.s32 $0x108;
	_ =	swait.ge @!p0 [sflag:s8], $0x0  }
0x24: {  	s3 =	sadd.s32 $0x88, s3;
	s6 =	simm.s32 @!p1 $0x1082;
	[sflag:s4] =	ssyncset.s32 $0xFFFFF086  }
0x25: {  	[simem:s6], [sflag:s4] =	dma.local [hbm:s3], $0xF7A  }
0x26: {  	[smem:$0x3F9B] =	sst s1;
	(tag) =	ssettag s2;
	_ =	strace s9  }
0x27: {  	s1 =	sld [smem:$0x3FAB]  }
0x28: {  	s2 =	sld [smem:$0x3FAC]  }
0x29: {  	s4 =	sld [smem:$0x3FAE]  }
0x2a: {  	p0 =	seq.s32 s5, $0x0;
	s5 =	sld [smem:$0x3FAF]  }
0x2b: {  	s6 =	sld [smem:$0x3FB0]  }
0x2c: {  	s7 =	sld [smem:$0x3FB1]  }
0x2d: {  	s3 =	simm.s32 $0x108;
	s8 =	sld [smem:$0x3FB2]  }
0x2e: {  	s3 =	simm.s32 @!p0 $0x1082;
	s9 =	sld [smem:$0x3FB3]  }
0x2f: {  	lr =	sadd.s32 s0, s3;
	s0 =	sld [smem:$0x3FAA]  }
0x30: {  	s3 =	sld [smem:$0x3FAD]  }
0x31: {  	[smem:$0x3FB6] =	sst s10  }
0x32: {  	s10 =	sld [smem:$0x3FB4];
	_ =	sdelay $0x3  }
0x33: {  	p0 =	seq.s32 s10, $0x1;
	s10 =	sld [smem:$0x3FB6];
	_ =	sdelay $0x3  }
0x34: {  	[smem:$0x3FB6] =	sst s10  }
0x35: {  	s10 =	sld [smem:$0x3FB5];
	_ =	sdelay $0x3  }
0x36: {  	p1 =	seq.s32 s10, $0x1;
	s10 =	sld [smem:$0x3FB6];
	_ =	sdelay $0x3  }
0x37: {  	[smem:$0x3FB6] =	sst s10  }
0x38: {  	s10 =	sld [smem:$0x3FB7]  }
0x39: {  	_ = 	snop;
	(pc) =	sbr.ind lr, $3  }
0x3a: {  	_ = 	snop  }
0x3b: {  	_ = 	snop  }
0x3c: {  	p2 =	seq.s32 s10, $0x1;
	s10 =	sld [smem:$0x3FB6]  }
0x3d: {  	_ =	shalt  }
0x3e: {  	_ =	shalt  }
0x3f: {  	_ =	shalt  }
0x40: {  	_ =	shalt  }
0x41: {  	_ =	shalt  }
0x42: {  	_ =	shalt  }
0x43: {  	_ =	shalt  }
0x44: {  	_ =	shalt  }
0x45: {  	_ =	shalt  }
0x46: {  	_ =	shalt  }
0x47: {  	_ =	shalt  }
0x48: {  	_ =	shalt  }
0x49: {  	_ =	shalt  }
0x4a: {  	_ =	shalt  }
0x4b: {  	_ =	shalt  }
0x4c: {  	_ =	shalt  }
0x4d: {  	_ =	shalt  }
0x4e: {  	_ =	shalt  }
0x4f: {  	_ =	shalt  }
0x50: {  	_ =	shalt  }
0x51: {  	_ =	shalt  }
0x52: {  	_ =	shalt  }
0x53: {  	_ =	shalt  }
0x54: {  	_ =	shalt  }
0x55: {  	_ =	shalt  }
0x56: {  	_ =	shalt  }
0x57: {  	_ =	shalt  }
0x58: {  	_ =	shalt  }
0x59: {  	_ =	shalt  }
0x5a: {  	_ =	shalt  }
0x5b: {  	_ =	shalt  }
0x5c: {  	_ =	shalt  }
0x5d: {  	_ =	shalt  }
0x5e: {  	_ =	shalt  }
0x5f: {  	_ =	shalt  }
0x60: {  	_ =	shalt  }
0x61: {  	_ =	shalt  }
0x62: {  	_ =	shalt  }
0x63: {  	_ =	shalt  }
0x64: {  	_ =	shalt  }
0x65: {  	_ =	shalt  }
0x66: {  	_ =	shalt  }
0x67: {  	_ =	shalt  }
0x68: {  	_ =	shalt  }
0x69: {  	_ =	shalt  }
0x6a: {  	_ =	shalt  }
0x6b: {  	_ =	shalt  }
0x6c: {  	_ =	shalt  }
0x6d: {  	_ =	shalt  }
0x6e: {  	_ =	shalt  }
0x6f: {  	_ =	shalt  }
0x70: {  	_ =	shalt  }
0x71: {  	_ =	shalt  }
0x72: {  	_ =	shalt  }
0x73: {  	_ =	shalt  }
0x74: {  	_ =	shalt  }
0x75: {  	_ =	shalt  }
0x76: {  	_ =	shalt  }
0x77: {  	_ =	shalt  }
0x78: {  	_ =	shalt  }
0x79: {  	_ =	shalt  }
0x7a: {  	_ =	shalt  }
0x7b: {  	_ =	shalt  }
0x7c: {  	_ =	shalt  }
0x7d: {  	_ =	shalt  }
0x7e: {  	_ =	shalt  }
0x7f: {  	_ =	shalt  }
0x80: {  	_ =	shalt  }
0x81: {  	_ =	shalt  }
0x82: {  	_ =	shalt  }
0x83: {  	_ =	shalt  }
0x84: {  	_ =	shalt  }
0x85: {  	_ =	shalt  }
0x86: {  	_ =	shalt  }
0x87: {  	_ =	shalt  }
.Lfunc_end0:
.L_simem_size_0:
called_computation_lowered:
.L_overlay_start_0:
0x88: {  	s2 =	sld [smem:$0x3FD9]  }
0x89: {  	s3 =	sld [smem:$0x3FFE];
	_ =	sdelay $0x1  }
0x8a: {  	s1 =	srdreg.scid  }
0x8b: {  	s0 =	sand.u32 $0x1, s1  }
0x8c: {  	s17 =	sshll.u32 s0, $0xA;
	s2 =	sadd.s32 s3, s2  }
0x8d: {  	s2 =	sadd.s32 s2, s17  }
0x8e: {  	[smem:$0x3FC2] =	sst s2  }
0x8f: {  	_ = 	snop  }
0x90: {  	s2 =	sld [smem:$0x3FC9]  }
0x91: {  	s18 =	sld [smem:$0x3FC8]  }
0x92: {  	s4 =	sld [smem:$0x3FD0];
	(tm) =	ssettm $0x1  }
0x93: {  	s5 =	sld [smem:$0x3FFB];
	_ =	sdelay $0x3  }
0x94: {  	_ =	strace s5  }
0x95: {  	s5 =	sld [smem:$0x3FFC];
	_ =	sdelay $0x3  }
0x96: {  	_ =	strace s5  }
0x97: {  	s5 =	sld [smem:$0x3FFD];
	_ =	sdelay $0x3  }
0x98: {  	_ =	strace s5  }
0x99: {  	_ =	strace $0x8FFFFFFF  }
0x9a: {  	s19 =	sld [smem:$0x3FDB];
	_ =	sdelay $0x1  }
0x9b: {  	s6 =	simm.s32 $_scs_section_size  }
0x9c: {  	s7 =	simm.s32 $_size__tile_overlayer_lowered;
	s8 =	simm.s32 $_tile_overlayer_lowered  }
0x9d: {  	s22 =	simm.s32 $0x1BFF;
	s21 =	sshll.u32 s8, $0x1;
	s5 =	sadd.s32 s6, s19  }
0x9e: {  	s9 =	simm.s32 $0x0;
	s20 =	sshll.u32 s7, $0x1;
	s7 =	sadd.s32 s21, s5  }
0x9f: {  	[timem:s9], [sflag:s22] =	dma.local [hbm:s7], s20  }
0xa0: {  	_ =	swait.ge [sflag:s22], s20  }
0xa1: {  	s6 =	ssub.s32 $0x0, s20;
	[sflag:s22] =	ssyncset.done $0x0  }
0xa2: {  	[sflag:s22] =	ssyncadd.s32 s6;
	_ =	sdelay $0x1  }
0xa3: {  	s23 =	simm.s32 $0x1B8B  }
0xa4: {  	_ =	swait.ge [sflag:s23], $0x1  }
0xa5: {  	[sflag:s23] =	ssyncset.done $0x0  }
0xa6: {  	s25 =	simm.s32 $0x1B8E;
	s24 =	sld [smem:$0x3FFE];
	[sflag:s23] =	ssyncadd.s32 $0xFFFFFFFF  }
0xa7: {  	s26 =	simm.s32 $execute0_lowered;
	[smem:$0x3FD2] =	sst s25  }
0xa8: {  	s7 =	sshll.u32 s26, $0x1;
	_ =	strace $0x80000046;
	[dreg:$0x1] =	wrdreg $0xFFFFFFFF  }
0xa9: {  	s28 =	simm.s32 $_size_execute0_lowered;
	s5 =	sadd.s32 s5, s7;
	[dreg:$0x0] =	wrdreg $0x0  }
0xaa: {  	s7 =	sshll.u32 s28, $0x1;
	[dreg:$0x2] =	wrdreg s5  }
0xab: {  	[dreg:$0x3] =	wrdreg s7  }
0xac: {  	[dreg:$0x4] =	wrdreg $0xC0  }
0xad: {  	_ =	task [dreg:s9], $0x5FFFF  }
0xae: {  	[dreg:$0x1] =	wrdreg $0xFFFFFFFF  }
0xaf: {  	[dreg:$0x0] =	wrdreg $0x60  }
0xb0: {  	[dreg:$0x2] =	wrdreg s2  }
0xb1: {  	[dreg:$0x3] =	wrdreg s18  }
0xb2: {  	[dreg:$0x4] =	wrdreg s4  }
0xb3: {  	[dreg:$0x5] =	wrdreg s24  }
0xb4: {  	[dreg:$0x6] =	wrdreg $0xA8000  }
0xb5: {  	[dreg:$0x7] =	wrdreg $0x9  }
0xb6: {  	_ =	task.clear_ibuf [dreg:s9], $0x8FFFF;
	_ =	strace $0x90000046  }
0xb7: {  	s29 =	simm.s32 $0x9;
	_ =	strace $0x80000048  }
0xb8: {  	_ =	swait.ge [sflag:s29], $0x1  }
0xb9: {  	[sflag:s29] =	ssyncadd.s32 $0xFFFFFFFF  }
0xba: {  	_ =	strace $0x90000048  }
0xbb: {  	_ =	sfence  }
0xbc: {  	s30 =	sld [smem:$0x0];
	_ =	sdelay $0x2  }
0xbd: {  	s31 =	sshll.u32 s1, $0xD;
	s1 =	sshrl.u32 s1, $0x2  }
0xbe: {  	s3 =	sand.u32 $0x4000, s31;
	s1 =	sadd.s32 s1, s30  }
0xbf: {  	s0 =	sor.u32 s3, s0;
	s1 =	sshll.u32 s1, $0x11  }
0xc0: {  	s0 =	sor.u32 s1, s0  }
0xc1: {  	s0 =	sadd.s32 $0x8F2B, s0  }
0xc2: {  	[sflag:s0] =	ssyncadd.remote.s32 $0x1  }
0xc3: {  	_ =	sfence.sel $0xFFFF  }
0xc4: {  	[dreg:$0x0] =	wrdreg $0xFFFFFFFF;
	(pc) =	sbr.abs _section_cstart, $3  }
0xc5: {  	[dreg:$0x1] =	wrdreg $0xFFFFFFFF  }
0xc6: {  	_ =	task.clear_ibuf [dreg:s9], $0x2FFFF;
	_ =	strace $0x9FFFFFFF  }
0xc7: {  	(tm) =	ssettm $0x7FFFFFFF  }
tec
execute0_lowered:
.L_overlay_start_1:
0x0: {  	(tag) =	ssettag $0x1  }
0x1: {  	s0 =	rddreg [dreg:$0x0]  }
0x2: {  	s1 =	rddreg [dreg:$0x1]  }
0x3: {  	s2 =	rddreg [dreg:$0x2];
	s3 =	srdreg.scid  }
0x4: {  	s6 =	rddreg [dreg:$0x3];
	s12 =	stileid.u32  }
0x5: {  	s4 =	rddreg [dreg:$0x4];
	s5 =	simm.s32 $0x0;
	s16 =	simm.s32 $0x3  }
0x6: {  	s17 =	simm.s32 $0x80;
	s18 =	simm.s32 $0x100;
	s19 =	simm.s32 $0x1400  }
0x7: {  	s20 =	simm.s32 $0x2800;
	s21 =	simm.s32 $0x6800;
	s22 =	simm.s32 $0x1  }
0x8: {  	s23 =	simm.s32 $0x2;
	s31 =	simm.s32 $0x1380;
	s24 =	simm.s32 $0x0  }
0x9: {  	s3 =	sand.u32 $0x1, s3;
	s8 =	smul.u32 $0x13C00, s12;
	[smem:$0x7FF] =	sst s5  }
0xa: {  	s25 =	sshll.u32 s12, $0x1;
	s26 =	smul.u32 $0x4F000, s12;
	s29 =	sshll.u32 s12, $0x6  }
0xb: {  	s12 =	sadd.s32 $0x13600, s1;
	s7 =	smul.u32 $0x13C000, s3;
	s9 =	ssub.s32 $0x2, s3  }
0xc: {  	s3 =	sor.u32 s3, s25;
	_ =	strace $0x80000047;
	s10 =	sshrl.u32 s9, $0x1  }
0xd: {  	s11 =	smul.u32 $0x5000, s3;
	s28 =	sshrl.u32 s26, $0x2;
	p0 =	seq.s32 s3, $0x1F  }
0xe: {  	s3 =	simm.s32 $0x2700;
	s7 =	sadd.s32 s8, s7;
	s14 =	ssub.s32 s9, s10  }
.Ltmp0:
0xf: {  	s15 =	sadd.s32 s28, s4;
	s7 =	sshrl.u32 s7, $0x3;
	(pc) =	sbr.rel .LBB2_1-.Ltmp0, $4  }
0x10: {  	s30 =	sshrl.u32 s11, $0x3;
	s11 =	sadd.s32 $0x13610, s1;
	s14 =	smax.u32 s14, $0x1  }
0x11: {  	s15 =	sshrl.u32 s15, $0x3;
	s13 =	sadd.s32 s7, s6;
	s7 =	sadd.s32 s1, s30  }
0x12: {  	s6 =	sor.u32 $0x1C03, s29;
	s1 =	simm.s32 $0x2780;
	s8 =	sadd.s32 $0x10, s7  }
0x13: {  	s9 =	sadd.s32 $0x510, s7;
	s10 =	sadd.s32 $0x500, s7;
	s13 =	sadd.s32 $0x2000, s13  }
.LBB2_8:
0x14: {  	[tilespmem:s5], [sflag:$0x3] =	stream.strided.gather [hbm4b:s11+s17], $0xA00, s18, s17, $0x38;
	[tilespmem:$0x1E400] =	vst v63  }
0x15: {  	_ =	swait.ge [sflag:s16], $0xA00  }
0x16: {  	[sflag:s16] =	ssyncset.done $0x0  }
0x17: {  	[sflag:s16] =	ssyncadd.s32 $0xFFFFF600  }
0x18: {  	[tilespmem:s19], [sflag:$0x3] =	stream.strided.gather [hbm4b:s12+s17], $0xA00, s18, s17, $0x38;
	[tilespmem:$0x1E400] =	vst v63  }
0x19: {  	_ =	swait.ge [sflag:s16], $0xA00  }
0x1a: {  	[sflag:s16] =	ssyncset.done $0x0  }
0x1b: {  	[sflag:s16] =	ssyncadd.s32 $0xFFFFF600  }
0x1c: {  	[tilespmem:s20], [sflag:$0x1] =	stream.indirect.gather [hbm4b:s0+s17], $0x80, s5, s17, $0xb8;
	[tilespmem:$0x1E400] =	vst v63  }
0x1d: {  	_ = 	snop  }
0x1e: {  	[tilespmem:s21], [sflag:$0x2] =	stream.indirect.gather [hbm4b:s0+s17], $0x80, s17, s17, $0xb8;
	[tilespmem:$0x1E400] =	vst v63  }
0x1f: {  	_ =	swait.ge [sflag:s22], $0x4000  }
0x20: {  	[sflag:s22] =	ssyncset.done $0x0  }
0x21: {  	[sflag:s22] =	ssyncadd.s32 $0xFFFFC000  }
0x22: {  	[spmem:s4] =	stream.indirect.scatter.add.f32 [tilespmem:s20], [sflag:$0x3], $0x80, s19, s17, $0xb8;
	[tilespmem:$0x1E400] =	vst v63  }
0x23: {  	_ =	swait.ge [sflag:s16], $0x4000  }
0x24: {  	[sflag:s16] =	ssyncset.done $0x0  }
0x25: {  	[sflag:s16] =	ssyncadd.s32 $0xFFFFC000  }
0x26: {  	[tilespmem:s20], [sflag:$0x1] =	stream.indirect.gather [hbm4b:s0+s17], $0x80, s18, s17, $0xb8;
	[tilespmem:$0x1E400] =	vst v63  }
0x27: {  	_ =	swait.ge [sflag:s23], $0x4000  }
0x28: {  	[sflag:s23] =	ssyncset.done $0x0  }
0x29: {  	s25 =	simm.s32 $0x1480;
	[sflag:s23] =	ssyncadd.s32 $0xFFFFC000  }
0x2a: {  	[spmem:s4] =	stream.indirect.scatter.add.f32 [tilespmem:s21], [sflag:$0x3], $0x80, s25, s17, $0xb8;
	[tilespmem:$0x1E400] =	vst v63  }
0x2b: {  	_ =	swait.ge [sflag:s16], $0x4000  }
0x2c: {  	[sflag:s16] =	ssyncset.done $0x0  }
0x2d: {  	s29 =	simm.s32 $0x180;
	[sflag:s16] =	ssyncadd.s32 $0xFFFFC000  }
0x2e: {  	[tilespmem:s21], [sflag:$0x2] =	stream.indirect.gather [hbm4b:s0+s17], $0x80, s29, s17, $0xb8;
	[tilespmem:$0x1E400] =	vst v63  }
0x2f: {  	_ =	swait.ge [sflag:s22], $0x4000  }
0x30: {  	[sflag:s22] =	ssyncset.done $0x0  }
0x31: {  	s30 =	simm.s32 $0x1500;
	[sflag:s22] =	ssyncadd.s32 $0xFFFFC000  }
0x32: {  	[spmem:s4] =	stream.indirect.scatter.add.f32 [tilespmem:s20], [sflag:$0x3], $0x80, s30, s17, $0xb8;
	[tilespmem:$0x1E400] =	vst v63  }
0x33: {  	_ =	swait.ge [sflag:s16], $0x4000  }
0x34: {  	[sflag:s16] =	ssyncset.done $0x0  }
0x35: {  	s26 =	simm.s32 $0x200;
	[sflag:s16] =	ssyncadd.s32 $0xFFFFC000  }
0x36: {  	[tilespmem:s20], [sflag:$0x1] =	stream.indirect.gather [hbm4b:s0+s17], $0x80, s26, s17, $0xb8;
	[tilespmem:$0x1E400] =	vst v63  }
0x37: {  	_ =	swait.ge [sflag:s23], $0x4000  }
0x38: {  	[sflag:s23] =	ssyncset.done $0x0  }
0x39: {  	s29 =	simm.s32 $0x1580;
	[sflag:s23] =	ssyncadd.s32 $0xFFFFC000  }
0x3a: {  	[spmem:s4] =	stream.indirect.scatter.add.f32 [tilespmem:s21], [sflag:$0x3], $0x80, s29, s17, $0xb8;
	[tilespmem:$0x1E400] =	vst v63  }
0x3b: {  	_ =	swait.ge [sflag:s16], $0x4000  }
0x3c: {  	[sflag:s16] =	ssyncset.done $0x0  }
0x3d: {  	s30 =	simm.s32 $0x280;
	[sflag:s16] =	ssyncadd.s32 $0xFFFFC000  }
0x3e: {  	[tilespmem:s21], [sflag:$0x2] =	stream.indirect.gather [hbm4b:s0+s17], $0x80, s30, s17, $0xb8;
	[tilespmem:$0x1E400] =	vst v63  }
0x3f: {  	_ =	swait.ge [sflag:s22], $0x4000  }
0x40: {  	[sflag:s22] =	ssyncset.done $0x0  }
0x41: {  	s26 =	simm.s32 $0x1600;
	[sflag:s22] =	ssyncadd.s32 $0xFFFFC000  }
0x42: {  	[spmem:s4] =	stream.indirect.scatter.add.f32 [tilespmem:s20], [sflag:$0x3], $0x80, s26, s17, $0xb8;
	[tilespmem:$0x1E400] =	vst v63  }
0x43: {  	_ =	swait.ge [sflag:s16], $0x4000  }
0x44: {  	[sflag:s16] =	ssyncset.done $0x0  }
0x45: {  	s29 =	simm.s32 $0x300;
	[sflag:s16] =	ssyncadd.s32 $0xFFFFC000  }
0x46: {  	[tilespmem:s20], [sflag:$0x1] =	stream.indirect.gather [hbm4b:s0+s17], $0x80, s29, s17, $0xb8;
	[tilespmem:$0x1E400] =	vst v63  }
0x47: {  	_ =	swait.ge [sflag:s23], $0x4000  }
0x48: {  	[sflag:s23] =	ssyncset.done $0x0  }
0x49: {  	s30 =	simm.s32 $0x1680;
	[sflag:s23] =	ssyncadd.s32 $0xFFFFC000  }
0x4a: {  	[spmem:s4] =	stream.indirect.scatter.add.f32 [tilespmem:s21], [sflag:$0x3], $0x80, s30, s17, $0xb8;
	[tilespmem:$0x1E400] =	vst v63  }
0x4b: {  	_ =	swait.ge [sflag:s16], $0x4000  }
0x4c: {  	[sflag:s16] =	ssyncset.done $0x0  }
0x4d: {  	s26 =	simm.s32 $0x380;
	[sflag:s16] =	ssyncadd.s32 $0xFFFFC000  }
0x4e: {  	[tilespmem:s21], [sflag:$0x2] =	stream.indirect.gather [hbm4b:s0+s17], $0x80, s26, s17, $0xb8;
	[tilespmem:$0x1E400] =	vst v63  }
0x4f: {  	_ =	swait.ge [sflag:s22], $0x4000  }
0x50: {  	[sflag:s22] =	ssyncset.done $0x0  }
0x51: {  	s29 =	simm.s32 $0x1700;
	[sflag:s22] =	ssyncadd.s32 $0xFFFFC000  }
0x52: {  	[spmem:s4] =	stream.indirect.scatter.add.f32 [tilespmem:s20], [sflag:$0x3], $0x80, s29, s17, $0xb8;
	[tilespmem:$0x1E400] =	vst v63  }
0x53: {  	_ =	swait.ge [sflag:s16], $0x4000  }
0x54: {  	[sflag:s16] =	ssyncset.done $0x0  }
0x55: {  	s30 =	simm.s32 $0x400;
	[sflag:s16] =	ssyncadd.s32 $0xFFFFC000  }
0x56: {  	[tilespmem:s20], [sflag:$0x1] =	stream.indirect.gather [hbm4b:s0+s17], $0x80, s30, s17, $0xb8;
	[tilespmem:$0x1E400] =	vst v63  }
0x57: {  	_ =	swait.ge [sflag:s23], $0x4000  }
0x58: {  	[sflag:s23] =	ssyncset.done $0x0  }
0x59: {  	s26 =	simm.s32 $0x1780;
	[sflag:s23] =	ssyncadd.s32 $0xFFFFC000  }
0x5a: {  	[spmem:s4] =	stream.indirect.scatter.add.f32 [tilespmem:s21], [sflag:$0x3], $0x80, s26, s17, $0xb8;
	[tilespmem:$0x1E400] =	vst v63  }
0x5b: {  	_ =	swait.ge [sflag:s16], $0x4000  }
0x5c: {  	[sflag:s16] =	ssyncset.done $0x0  }
0x5d: {  	s29 =	simm.s32 $0x480;
	[sflag:s16] =	ssyncadd.s32 $0xFFFFC000  }
0x5e: {  	[tilespmem:s21], [sflag:$0x2] =	stream.indirect.gather [hbm4b:s0+s17], $0x80, s29, s17, $0xb8;
	[tilespmem:$0x1E400] =	vst v63  }
0x5f: {  	_ =	swait.ge [sflag:s22], $0x4000  }
0x60: {  	[sflag:s22] =	ssyncset.done $0x0  }
0x61: {  	s30 =	simm.s32 $0x1800;
	[sflag:s22] =	ssyncadd.s32 $0xFFFFC000  }
0x62: {  	[spmem:s4] =	stream.indirect.scatter.add.f32 [tilespmem:s20], [sflag:$0x3], $0x80, s30, s17, $0xb8;
	[tilespmem:$0x1E400] =	vst v63  }
0x63: {  	_ =	swait.ge [sflag:s16], $0x4000  }
0x64: {  	[sflag:s16] =	ssyncset.done $0x0  }
0x65: {  	s26 =	simm.s32 $0x500;
	[sflag:s16] =	ssyncadd.s32 $0xFFFFC000  }
0x66: {  	[tilespmem:s20], [sflag:$0x1] =	stream.indirect.gather [hbm4b:s0+s17], $0x80, s26, s17, $0xb8;
	[tilespmem:$0x1E400] =	vst v63  }
0x67: {  	_ =	swait.ge [sflag:s23], $0x4000  }
0x68: {  	[sflag:s23] =	ssyncset.done $0x0  }
0x69: {  	s29 =	simm.s32 $0x1880;
	[sflag:s23] =	ssyncadd.s32 $0xFFFFC000  }
0x6a: {  	[spmem:s4] =	stream.indirect.scatter.add.f32 [tilespmem:s21], [sflag:$0x3], $0x80, s29, s17, $0xb8;
	[tilespmem:$0x1E400] =	vst v63  }
0x6b: {  	_ =	swait.ge [sflag:s16], $0x4000  }
0x6c: {  	[sflag:s16] =	ssyncset.done $0x0  }
0x6d: {  	s30 =	simm.s32 $0x580;
	[sflag:s16] =	ssyncadd.s32 $0xFFFFC000  }
0x6e: {  	[tilespmem:s21], [sflag:$0x2] =	stream.indirect.gather [hbm4b:s0+s17], $0x80, s30, s17, $0xb8;
	[tilespmem:$0x1E400] =	vst v63  }
0x6f: {  	_ =	swait.ge [sflag:s22], $0x4000  }
0x70: {  	[sflag:s22] =	ssyncset.done $0x0  }
0x71: {  	s26 =	simm.s32 $0x1900;
	[sflag:s22] =	ssyncadd.s32 $0xFFFFC000  }
0x72: {  	[spmem:s4] =	stream.indirect.scatter.add.f32 [tilespmem:s20], [sflag:$0x3], $0x80, s26, s17, $0xb8;
	[tilespmem:$0x1E400] =	vst v63  }
0x73: {  	_ =	swait.ge [sflag:s16], $0x4000  }
0x74: {  	[sflag:s16] =	ssyncset.done $0x0  }
0x75: {  	s29 =	simm.s32 $0x600;
	[sflag:s16] =	ssyncadd.s32 $0xFFFFC000  }
0x76: {  	[tilespmem:s20], [sflag:$0x1] =	stream.indirect.gather [hbm4b:s0+s17], $0x80, s29, s17, $0xb8;
	[tilespmem:$0x1E400] =	vst v63  }
0x77: {  	_ =	swait.ge [sflag:s23], $0x4000  }
0x78: {  	[sflag:s23] =	ssyncset.done $0x0  }
0x79: {  	s30 =	simm.s32 $0x1980;
	[sflag:s23] =	ssyncadd.s32 $0xFFFFC000  }
0x7a: {  	[spmem:s4] =	stream.indirect.scatter.add.f32 [tilespmem:s21], [sflag:$0x3], $0x80, s30, s17, $0xb8;
	[tilespmem:$0x1E400] =	vst v63  }
0x7b: {  	_ =	swait.ge [sflag:s16], $0x4000  }
0x7c: {  	[sflag:s16] =	ssyncset.done $0x0  }
0x7d: {  	s26 =	simm.s32 $0x680;
	[sflag:s16] =	ssyncadd.s32 $0xFFFFC000  }
0x7e: {  	[tilespmem:s21], [sflag:$0x2] =	stream.indirect.gather [hbm4b:s0+s17], $0x80, s26, s17, $0xb8;
	[tilespmem:$0x1E400] =	vst v63  }
0x7f: {  	_ =	swait.ge [sflag:s22], $0x4000  }
0x80: {  	[sflag:s22] =	ssyncset.done $0x0  }
0x81: {  	s29 =	simm.s32 $0x1A00;
	[sflag:s22] =	ssyncadd.s32 $0xFFFFC000  }
0x82: {  	[spmem:s4] =	stream.indirect.scatter.add.f32 [tilespmem:s20], [sflag:$0x3], $0x80, s29, s17, $0xb8;
	[tilespmem:$0x1E400] =	vst v63  }
0x83: {  	_ =	swait.ge [sflag:s16], $0x4000  }
0x84: {  	[sflag:s16] =	ssyncset.done $0x0  }
0x85: {  	s30 =	simm.s32 $0x700;
	[sflag:s16] =	ssyncadd.s32 $0xFFFFC000  }
0x86: {  	[tilespmem:s20], [sflag:$0x1] =	stream.indirect.gather [hbm4b:s0+s17], $0x80, s30, s17, $0xb8;
	[tilespmem:$0x1E400] =	vst v63  }
0x87: {  	_ =	swait.ge [sflag:s23], $0x4000  }
0x88: {  	[sflag:s23] =	ssyncset.done $0x0  }
0x89: {  	s26 =	simm.s32 $0x1A80;
	[sflag:s23] =	ssyncadd.s32 $0xFFFFC000  }
0x8a: {  	[spmem:s4] =	stream.indirect.scatter.add.f32 [tilespmem:s21], [sflag:$0x3], $0x80, s26, s17, $0xb8;
	[tilespmem:$0x1E400] =	vst v63  }
0x8b: {  	_ =	swait.ge [sflag:s16], $0x4000  }
0x8c: {  	[sflag:s16] =	ssyncset.done $0x0  }
0x8d: {  	s29 =	simm.s32 $0x780;
	[sflag:s16] =	ssyncadd.s32 $0xFFFFC000  }
0x8e: {  	[tilespmem:s21], [sflag:$0x2] =	stream.indirect.gather [hbm4b:s0+s17], $0x80, s29, s17, $0xb8;
	[tilespmem:$0x1E400] =	vst v63  }
0x8f: {  	_ =	swait.ge [sflag:s22], $0x4000  }
0x90: {  	[sflag:s22] =	ssyncset.done $0x0  }
0x91: {  	s30 =	simm.s32 $0x1B00;
	[sflag:s22] =	ssyncadd.s32 $0xFFFFC000  }
0x92: {  	[spmem:s4] =	stream.indirect.scatter.add.f32 [tilespmem:s20], [sflag:$0x3], $0x80, s30, s17, $0xb8;
	[tilespmem:$0x1E400] =	vst v63  }
0x93: {  	_ =	swait.ge [sflag:s16], $0x4000  }
0x94: {  	[sflag:s16] =	ssyncset.done $0x0  }
0x95: {  	s26 =	simm.s32 $0x800;
	[sflag:s16] =	ssyncadd.s32 $0xFFFFC000  }
0x96: {  	[tilespmem:s20], [sflag:$0x1] =	stream.indirect.gather [hbm4b:s0+s17], $0x80, s26, s17, $0xb8;
	[tilespmem:$0x1E400] =	vst v63  }
0x97: {  	_ =	swait.ge [sflag:s23], $0x4000  }
0x98: {  	[sflag:s23] =	ssyncset.done $0x0  }
0x99: {  	s29 =	simm.s32 $0x1B80;
	[sflag:s23] =	ssyncadd.s32 $0xFFFFC000  }
0x9a: {  	[spmem:s4] =	stream.indirect.scatter.add.f32 [tilespmem:s21], [sflag:$0x3], $0x80, s29, s17, $0xb8;
	[tilespmem:$0x1E400] =	vst v63  }
0x9b: {  	_ =	swait.ge [sflag:s16], $0x4000  }
0x9c: {  	[sflag:s16] =	ssyncset.done $0x0  }
0x9d: {  	s30 =	simm.s32 $0x880;
	[sflag:s16] =	ssyncadd.s32 $0xFFFFC000  }
0x9e: {  	[tilespmem:s21], [sflag:$0x2] =	stream.indirect.gather [hbm4b:s0+s17], $0x80, s30, s17, $0xb8;
	[tilespmem:$0x1E400] =	vst v63  }
0x9f: {  	_ =	swait.ge [sflag:s22], $0x4000  }
0xa0: {  	[sflag:s22] =	ssyncset.done $0x0  }
0xa1: {  	s26 =	simm.s32 $0x1C00;
	[sflag:s22] =	ssyncadd.s32 $0xFFFFC000  }
0xa2: {  	[spmem:s4] =	stream.indirect.scatter.add.f32 [tilespmem:s20], [sflag:$0x3], $0x80, s26, s17, $0xb8;
	[tilespmem:$0x1E400] =	vst v63  }
0xa3: {  	_ =	swait.ge [sflag:s16], $0x4000  }
0xa4: {  	[sflag:s16] =	ssyncset.done $0x0  }
0xa5: {  	s29 =	simm.s32 $0x900;
	[sflag:s16] =	ssyncadd.s32 $0xFFFFC000  }
0xa6: {  	[tilespmem:s20], [sflag:$0x1] =	stream.indirect.gather [hbm4b:s0+s17], $0x80, s29, s17, $0xb8;
	[tilespmem:$0x1E400] =	vst v63  }
0xa7: {  	_ =	swait.ge [sflag:s23], $0x4000  }
0xa8: {  	[sflag:s23] =	ssyncset.done $0x0  }
0xa9: {  	s30 =	simm.s32 $0x1C80;
	[sflag:s23] =	ssyncadd.s32 $0xFFFFC000  }
0xaa: {  	[spmem:s4] =	stream.indirect.scatter.add.f32 [tilespmem:s21], [sflag:$0x3], $0x80, s30, s17, $0xb8;
	[tilespmem:$0x1E400] =	vst v63  }
0xab: {  	_ =	swait.ge [sflag:s16], $0x4000  }
0xac: {  	s28 =	simm.s32 $0x980;
	[sflag:s16] =	ssyncset.done $0x0  }
0xad: {  	s25 =	simm.s32 $0x1D80;
	s26 =	simm.s32 $0x1D00;
	[sflag:s16] =	ssyncadd.s32 $0xFFFFC000  }
.LBB2_9:
0xae: {  	[tilespmem:s21], [sflag:$0x2] =	stream.indirect.gather [hbm4b:s0+s17], $0x80, s28, s17, $0xb8;
	[tilespmem:$0x1E400] =	vst v63  }
0xaf: {  	_ =	swait.ge [sflag:s22], $0x4000  }
0xb0: {  	[sflag:s22] =	ssyncset.done $0x0  }
0xb1: {  	[sflag:s22] =	ssyncadd.s32 $0xFFFFC000  }
0xb2: {  	[spmem:s4] =	stream.indirect.scatter.add.f32 [tilespmem:s20], [sflag:$0x3], $0x80, s26, s17, $0xb8;
	[tilespmem:$0x1E400] =	vst v63  }
0xb3: {  	_ =	swait.ge [sflag:s16], $0x4000  }
0xb4: {  	[sflag:s16] =	ssyncset.done $0x0  }
0xb5: {  	[sflag:s16] =	ssyncadd.s32 $0xFFFFC000  }
0xb6: {  	_ =	swait.ge [sflag:s23], $0x4000  }
0xb7: {  	[sflag:s23] =	ssyncset.done $0x0  }
0xb8: {  	[sflag:s23] =	ssyncadd.s32 $0xFFFFC000  }
0xb9: {  	[spmem:s4] =	stream.indirect.scatter.add.f32 [tilespmem:s21], [sflag:$0x3], $0x80, s25, s17, $0xb8;
	[tilespmem:$0x1E400] =	vst v63  }
0xba: {  	_ =	swait.ge [sflag:s16], $0x4000  }
0xbb: {  	s24 =	sadd.s32 $0x1, s24;
	[sflag:s16] =	ssyncset.done $0x0  }
0xbc: {  	p1 =	sne.s32 s24, s14;
	[sflag:s16] =	ssyncadd.s32 $0xFFFFC000  }
.Ltmp1:
0xbd: {  	[bflag:$0x0] =	sbarrier.arrive $0xFFFF;
	(pc) =	sbr.rel @!p1 .LBB2_10-.Ltmp1, $4  }
0xbe: {  	[hbm:s13], [sflag:s6] =	dma.local [spmem:s15], $0x2780  }
0xbf: {  	_ =	swait.ge [sflag:s16], $0x2780  }
0xc0: {  	[sflag:s16] =	ssyncset.done $0x0  }
0xc1: {  	[sflag:s16] =	ssyncadd.s32 $0xFFFFD880  }
.LBB2_1:
0xc2: {  	[spmem:s15], [sflag:s6] =	dma.local [hbm:s2], $0x2780  }
.Ltmp2:
0xc3: {  	_ =	swait.ge [sflag:s16], $0x2780;
	(pc) =	sbr.rel @p0 .LBB2_8-.Ltmp2, $3  }
0xc4: {  	[sflag:s16] =	ssyncset.done $0x0  }
0xc5: {  	[sflag:s16] =	ssyncadd.s32 $0xFFFFD880  }
0xc6: {  	[bflag:$0x0] =	sbarrier.arrive $0xFFFF;
	_ =	sdelay $0x1  }
0xc7: {  	s25 =	simm.s32 $0x0  }
0xc8: {  	[tilespmem:s25], [sflag:$0x3] =	stream.strided.gather [hbm4b:s8+s17], $0x1400, s18, s17, $0x38;
	[tilespmem:$0x1E400] =	vst v63  }
0xc9: {  	_ =	swait.ge [sflag:s16], $0x1400  }
0xca: {  	[sflag:s16] =	ssyncset.done $0x0  }
0xcb: {  	[sflag:s16] =	ssyncadd.s32 $0xFFFFEC00  }
0xcc: {  	[tilespmem:s19], [sflag:$0x3] =	stream.strided.gather [hbm4b:s7+s17], $0x1400, s18, s17, $0x38;
	[tilespmem:$0x1E400] =	vst v63  }
0xcd: {  	_ =	swait.ge [sflag:s16], $0x1400  }
0xce: {  	[sflag:s16] =	ssyncset.done $0x0  }
0xcf: {  	[sflag:s16] =	ssyncadd.s32 $0xFFFFEC00  }
0xd0: {  	[tilespmem:s20], [sflag:$0x1] =	stream.indirect.gather [hbm4b:s0+s17], $0x80, s25, s17, $0xb8;
	[tilespmem:$0x1E400] =	vst v63  }
0xd1: {  	s26 =	simm.s32 $0x80  }
0xd2: {  	[tilespmem:s21], [sflag:$0x2] =	stream.indirect.gather [hbm4b:s0+s17], $0x80, s26, s17, $0xb8;
	[tilespmem:$0x1E400] =	vst v63  }
0xd3: {  	_ =	swait.ge [sflag:s22], $0x4000  }
0xd4: {  	[sflag:s22] =	ssyncset.done $0x0  }
0xd5: {  	s28 =	simm.s32 $0x1400;
	[sflag:s22] =	ssyncadd.s32 $0xFFFFC000  }
0xd6: {  	[spmem:s4] =	stream.indirect.scatter.add.f32 [tilespmem:s20], [sflag:$0x3], $0x80, s28, s17, $0xb8;
	[tilespmem:$0x1E400] =	vst v63  }
0xd7: {  	_ =	swait.ge [sflag:s16], $0x4000  }
0xd8: {  	[sflag:s16] =	ssyncset.done $0x0  }
0xd9: {  	s29 =	simm.s32 $0x100;
	[sflag:s16] =	ssyncadd.s32 $0xFFFFC000  }
0xda: {  	[tilespmem:s20], [sflag:$0x1] =	stream.indirect.gather [hbm4b:s0+s17], $0x80, s29, s17, $0xb8;
	[tilespmem:$0x1E400] =	vst v63  }
0xdb: {  	_ =	swait.ge [sflag:s23], $0x4000  }
0xdc: {  	[sflag:s23] =	ssyncset.done $0x0  }
0xdd: {  	s30 =	simm.s32 $0x1480;
	[sflag:s23] =	ssyncadd.s32 $0xFFFFC000  }
0xde: {  	[spmem:s4] =	stream.indirect.scatter.add.f32 [tilespmem:s21], [sflag:$0x3], $0x80, s30, s17, $0xb8;
	[tilespmem:$0x1E400] =	vst v63  }
0xdf: {  	_ =	swait.ge [sflag:s16], $0x4000  }
0xe0: {  	s25 =	simm.s32 $0x100;
	s26 =	simm.s32 $0x800;
	[sflag:s16] =	ssyncset.done $0x0  }
.LBB2_3:
0xe1: {  	s28 =	sadd.s32 $0x80, s25  }
0xe2: {  	[sflag:s16] =	ssyncadd.s32 $0xFFFFC000;
	s29 =	smov.u32 s26;
	s30 =	sadd.s32 $0x400, s26  }
0xe3: {  	[tilespmem:s21], [sflag:$0x2] =	stream.indirect.gather [hbm4b:s0+s17], $0x80, s28, s17, $0xb8;
	[tilespmem:$0x1E400] =	vst v63  }
0xe4: {  	p1 =	sne.s32 s26, $0x4800;
	_ =	swait.ge [sflag:s22], $0x4000  }
0xe5: {  	[sflag:s22] =	ssyncset.done $0x0  }
0xe6: {  	s26 =	sadd.s32 $0x1400, s25;
	[sflag:s22] =	ssyncadd.s32 $0xFFFFC000  }
0xe7: {  	[spmem:s4] =	stream.indirect.scatter.add.f32 [tilespmem:s20], [sflag:$0x3], $0x80, s26, s17, $0xb8;
	[tilespmem:$0x1E400] =	vst v63  }
0xe8: {  	_ =	swait.ge [sflag:s16], $0x4000  }
0xe9: {  	[sflag:s16] =	ssyncset.done $0x0  }
0xea: {  	s26 =	sadd.s32 $0x100, s25;
	[sflag:s16] =	ssyncadd.s32 $0xFFFFC000  }
0xeb: {  	[tilespmem:s20], [sflag:$0x1] =	stream.indirect.gather [hbm4b:s0+s17], $0x80, s26, s17, $0xb8;
	[tilespmem:$0x1E400] =	vst v63  }
0xec: {  	_ =	swait.ge [sflag:s23], $0x4000  }
.Ltmp3:
0xed: {  	[sflag:s23] =	ssyncset.done $0x0;
	(pc) =	sbr.rel @p1 .LBB2_3-.Ltmp3, $4  }
0xee: {  	s25 =	sadd.s32 $0x1480, s25;
	[sflag:s23] =	ssyncadd.s32 $0xFFFFC000  }
0xef: {  	[spmem:s4] =	stream.indirect.scatter.add.f32 [tilespmem:s21], [sflag:$0x3], $0x80, s25, s17, $0xb8;
	[tilespmem:$0x1E400] =	vst v63  }
0xf0: {  	_ =	swait.ge [sflag:s16], $0x4000  }
0xf1: {  	s26 =	smov.u32 s30;
	s25 =	sshra.s32 s29, $0x2;
	[sflag:s16] =	ssyncset.done $0x0  }
0xf2: {  	s26 =	sadd.s32 $0x80, s25;
	[sflag:s16] =	ssyncadd.s32 $0xFFFFC000  }
0xf3: {  	[tilespmem:s21], [sflag:$0x2] =	stream.indirect.gather [hbm4b:s0+s17], $0x80, s26, s17, $0xb8;
	[tilespmem:$0x1E400] =	vst v63  }
0xf4: {  	_ =	swait.ge [sflag:s22], $0x4000  }
0xf5: {  	[sflag:s22] =	ssyncset.done $0x0  }
0xf6: {  	s30 =	sadd.s32 $0x1400, s25;
	[sflag:s22] =	ssyncadd.s32 $0xFFFFC000  }
0xf7: {  	[spmem:s4] =	stream.indirect.scatter.add.f32 [tilespmem:s20], [sflag:$0x3], $0x80, s30, s17, $0xb8;
	[tilespmem:$0x1E400] =	vst v63  }
0xf8: {  	_ =	swait.ge [sflag:s16], $0x4000  }
0xf9: {  	[sflag:s16] =	ssyncset.done $0x0  }
0xfa: {  	s28 =	sadd.s32 $0x100, s25;
	[sflag:s16] =	ssyncadd.s32 $0xFFFFC000  }
0xfb: {  	[tilespmem:s20], [sflag:$0x1] =	stream.indirect.gather [hbm4b:s0+s17], $0x80, s28, s17, $0xb8;
	[tilespmem:$0x1E400] =	vst v63  }
0xfc: {  	_ =	swait.ge [sflag:s23], $0x4000  }
0xfd: {  	[sflag:s23] =	ssyncset.done $0x0  }
0xfe: {  	s29 =	sadd.s32 $0x1480, s25;
	[sflag:s23] =	ssyncadd.s32 $0xFFFFC000  }
0xff: {  	[spmem:s4] =	stream.indirect.scatter.add.f32 [tilespmem:s21], [sflag:$0x3], $0x80, s29, s17, $0xb8;
	[tilespmem:$0x1E400] =	vst v63  }
0x100: {  	_ =	swait.ge [sflag:s16], $0x4000  }
0x101: {  	[sflag:s16] =	ssyncset.done $0x0  }
0x102: {  	[sflag:s16] =	ssyncadd.s32 $0xFFFFC000  }
0x103: {  	[tilespmem:s21], [sflag:$0x2] =	stream.indirect.gather [hbm4b:s0+s17], $0x80, s31, s17, $0xb8;
	[tilespmem:$0x1E400] =	vst v63  }
0x104: {  	_ =	swait.ge [sflag:s22], $0x4000  }
0x105: {  	[sflag:s22] =	ssyncset.done $0x0  }
0x106: {  	[sflag:s22] =	ssyncadd.s32 $0xFFFFC000  }
0x107: {  	[spmem:s4] =	stream.indirect.scatter.add.f32 [tilespmem:s20], [sflag:$0x3], $0x80, s3, s17, $0xb8;
	[tilespmem:$0x1E400] =	vst v63  }
0x108: {  	_ =	swait.ge [sflag:s16], $0x4000  }
0x109: {  	[sflag:s16] =	ssyncset.done $0x0  }
0x10a: {  	[sflag:s16] =	ssyncadd.s32 $0xFFFFC000  }
0x10b: {  	_ =	swait.ge [sflag:s23], $0x4000  }
0x10c: {  	[sflag:s23] =	ssyncset.done $0x0  }
0x10d: {  	[sflag:s23] =	ssyncadd.s32 $0xFFFFC000  }
0x10e: {  	[spmem:s4] =	stream.indirect.scatter.add.f32 [tilespmem:s21], [sflag:$0x3], $0x80, s1, s17, $0xb8;
	[tilespmem:$0x1E400] =	vst v63  }
0x10f: {  	_ =	swait.ge [sflag:s16], $0x4000  }
0x110: {  	[sflag:s16] =	ssyncset.done $0x0  }
0x111: {  	s30 =	simm.s32 $0x0;
	[sflag:s16] =	ssyncadd.s32 $0xFFFFC000  }
0x112: {  	[tilespmem:s30], [sflag:$0x3] =	stream.strided.gather [hbm4b:s9+s17], $0x1400, s18, s17, $0x38;
	[tilespmem:$0x1E400] =	vst v63  }
0x113: {  	_ =	swait.ge [sflag:s16], $0x1400  }
0x114: {  	[sflag:s16] =	ssyncset.done $0x0  }
0x115: {  	p2 =	por $0x0, $0x0;
	[sflag:s16] =	ssyncadd.s32 $0xFFFFEC00  }
0x116: {  	[tilespmem:s19], [sflag:$0x3] =	stream.strided.gather [hbm4b:s10+s17], $0x1400, s18, s17, $0x38;
	[tilespmem:$0x1E400] =	vst v63  }
.Ltmp4:
0x117: {  	_ = 	snop;
	(pc) =	sbr.rel @p2 .LBB2_7-.Ltmp4, $4  }
0x118: {  	_ =	swait.ge [sflag:s16], $0x1400  }
0x119: {  	[sflag:s16] =	ssyncset.done $0x0  }
0x11a: {  	s25 =	simm.s32 $0x0;
	p1 =	por $0x0, $0x0;
	[sflag:s16] =	ssyncadd.s32 $0xFFFFEC00  }
0x11b: {  	[tilespmem:s20], [sflag:$0x1] =	stream.indirect.gather [hbm4b:s0+s17], $0x80, s30, s17, $0xb8;
	[tilespmem:$0x1E400] =	vst v63  }
0x11c: {  	s25 =	simm.s32 $0x80  }
0x11d: {  	[tilespmem:s21], [sflag:$0x2] =	stream.indirect.gather [hbm4b:s0+s17], $0x80, s25, s17, $0xb8;
	[tilespmem:$0x1E400] =	vst v63  }
0x11e: {  	_ =	swait.ge [sflag:s22], $0x4000  }
0x11f: {  	[sflag:s22] =	ssyncset.done $0x0  }
0x120: {  	s28 =	simm.s32 $0x1400;
	[sflag:s22] =	ssyncadd.s32 $0xFFFFC000  }
0x121: {  	[spmem:s4] =	stream.indirect.scatter.add.f32 [tilespmem:s20], [sflag:$0x3], $0x80, s28, s17, $0xb8;
	[tilespmem:$0x1E400] =	vst v63  }
0x122: {  	_ =	swait.ge [sflag:s16], $0x4000  }
0x123: {  	[sflag:s16] =	ssyncset.done $0x0  }
0x124: {  	s29 =	simm.s32 $0x100;
	[sflag:s16] =	ssyncadd.s32 $0xFFFFC000  }
0x125: {  	[tilespmem:s20], [sflag:$0x1] =	stream.indirect.gather [hbm4b:s0+s17], $0x80, s29, s17, $0xb8;
	[tilespmem:$0x1E400] =	vst v63  }
0x126: {  	p2 =	por $0x0, $0x0;
	_ =	swait.ge [sflag:s23], $0x4000  }
.Ltmp5:
0x127: {  	[sflag:s23] =	ssyncset.done $0x0;
	(pc) =	sbr.rel @p2 .LBB2_7-.Ltmp5, $4  }
0x128: {  	s30 =	simm.s32 $0x1480;
	[sflag:s23] =	ssyncadd.s32 $0xFFFFC000  }
0x129: {  	[spmem:s4] =	stream.indirect.scatter.add.f32 [tilespmem:s21], [sflag:$0x3], $0x80, s30, s17, $0xb8;
	[tilespmem:$0x1E400] =	vst v63  }
0x12a: {  	s26 =	simm.s32 $0x800;
	_ =	swait.ge [sflag:s16], $0x4000  }
0x12b: {  	p1 =	por $0x1, $0x1;
	s25 =	simm.s32 $0x100;
	[sflag:s16] =	ssyncset.done $0x0  }
.LBB2_6:
0x12c: {  	s28 =	sadd.s32 $0x80, s25  }
0x12d: {  	[sflag:s16] =	ssyncadd.s32 $0xFFFFC000;
	s29 =	smov.u32 s26;
	s30 =	sadd.s32 $0x400, s26  }
0x12e: {  	[tilespmem:s21], [sflag:$0x2] =	stream.indirect.gather [hbm4b:s0+s17], $0x80, s28, s17, $0xb8;
	[tilespmem:$0x1E400] =	vst v63  }
0x12f: {  	p2 =	seq.s32 s26, $0x4800;
	_ =	swait.ge [sflag:s22], $0x4000  }
0x130: {  	[sflag:s22] =	ssyncset.done $0x0  }
0x131: {  	s26 =	sadd.s32 $0x1400, s25;
	[sflag:s22] =	ssyncadd.s32 $0xFFFFC000  }
0x132: {  	[spmem:s4] =	stream.indirect.scatter.add.f32 [tilespmem:s20], [sflag:$0x3], $0x80, s26, s17, $0xb8;
	[tilespmem:$0x1E400] =	vst v63  }
0x133: {  	_ =	swait.ge [sflag:s16], $0x4000  }
0x134: {  	[sflag:s16] =	ssyncset.done $0x0  }
0x135: {  	s26 =	sadd.s32 $0x100, s25;
	[sflag:s16] =	ssyncadd.s32 $0xFFFFC000  }
0x136: {  	[tilespmem:s20], [sflag:$0x1] =	stream.indirect.gather [hbm4b:s0+s17], $0x80, s26, s17, $0xb8;
	[tilespmem:$0x1E400] =	vst v63  }
0x137: {  	_ =	swait.ge [sflag:s23], $0x4000  }
.Ltmp6:
0x138: {  	[sflag:s23] =	ssyncset.done $0x0;
	(pc) =	sbr.rel @!p2 .LBB2_6-.Ltmp6, $4  }
0x139: {  	s25 =	sadd.s32 $0x1480, s25;
	[sflag:s23] =	ssyncadd.s32 $0xFFFFC000  }
0x13a: {  	[spmem:s4] =	stream.indirect.scatter.add.f32 [tilespmem:s21], [sflag:$0x3], $0x80, s25, s17, $0xb8;
	[tilespmem:$0x1E400] =	vst v63  }
0x13b: {  	_ =	swait.ge [sflag:s16], $0x4000  }
0x13c: {  	s26 =	smov.u32 s30;
	s25 =	sshra.s32 s29, $0x2;
	[sflag:s16] =	ssyncset.done $0x0  }
.LBB2_7:
0x13d: {  	s26 =	sadd.s32 $0x80, s25;
	[sflag:s16] =	ssyncadd.s32 @p1 $0xFFFFC000  }
0x13e: {  	[tilespmem:s21], [sflag:$0x2] =	stream.indirect.gather [hbm4b:s0+s17], $0x80, s26, s17, $0xb8;
	[tilespmem:$0x1E400] =	vst v63  }
0x13f: {  	_ =	swait.ge [sflag:s22], $0x4000  }
0x140: {  	[sflag:s22] =	ssyncset.done $0x0  }
0x141: {  	s30 =	sadd.s32 $0x1400, s25;
	[sflag:s22] =	ssyncadd.s32 $0xFFFFC000  }
0x142: {  	[spmem:s4] =	stream.indirect.scatter.add.f32 [tilespmem:s20], [sflag:$0x3], $0x80, s30, s17, $0xb8;
	[tilespmem:$0x1E400] =	vst v63  }
0x143: {  	_ =	swait.ge [sflag:s16], $0x4000  }
0x144: {  	[sflag:s16] =	ssyncset.done $0x0  }
0x145: {  	s29 =	sadd.s32 $0x100, s25;
	[sflag:s16] =	ssyncadd.s32 $0xFFFFC000  }
0x146: {  	[tilespmem:s20], [sflag:$0x1] =	stream.indirect.gather [hbm4b:s0+s17], $0x80, s29, s17, $0xb8;
	[tilespmem:$0x1E400] =	vst v63  }
0x147: {  	_ =	swait.ge [sflag:s23], $0x4000  }
0x148: {  	[sflag:s23] =	ssyncset.done $0x0  }
.Ltmp7:
0x149: {  	s30 =	sadd.s32 $0x1480, s25;
	[sflag:s23] =	ssyncadd.s32 $0xFFFFC000;
	(pc) =	sbr.rel .LBB2_9-.Ltmp7, $4  }
0x14a: {  	[spmem:s4] =	stream.indirect.scatter.add.f32 [tilespmem:s21], [sflag:$0x3], $0x80, s30, s17, $0xb8;
	[tilespmem:$0x1E400] =	vst v63  }
0x14b: {  	_ =	swait.ge [sflag:s16], $0x4000  }
0x14c: {  	s28 =	simm.s32 $0x1380;
	[sflag:s16] =	ssyncset.done $0x0  }
0x14d: {  	s26 =	simm.s32 $0x2700;
	s25 =	simm.s32 $0x2780;
	[sflag:s16] =	ssyncadd.s32 $0xFFFFC000  }
.LBB2_10:
0x14e: {  	_ =	sfence.sel $0x180000  }
0x14f: {  	[bflag:$0x0] =	sbarrier.arrive $0xFFFF  }
0x150: {  	_ =	strace $0x90000047  }
0x151: {  	s0 =	stileid.u32;
	[bflag:$0x2] =	sbarrier.arrive $0xFFFF  }
0x152: {  	p0 =	sne.s32 s0, $0x0;
	s0 =	rddreg [dreg:$0x5]  }
0x153: {  	s0 =	sadd.s32 @!p0 $0x100000, s0  }
0x154: {  	[sflag:s0] =	ssyncadd.tile.s32 @!p0 $0x1;
	_ =	shalt  }
.Lfunc_end2:
_tile_overlayer_lowered:
.L_overlay_start_2:
0x155: {  	(tag) =	ssettag $0x2  }
0x156: {  	s0 =	rddreg [dreg:$0x0];
	s2 =	stileid.u32  }
0x157: {  	s1 =	rddreg [dreg:$0x1];
	p0 =	sne.s32 s2, $0x0  }
0x158: {  	s3 =	rddreg [dreg:$0x2];
	[bflag:$0x3] =	sbarrier.arrive $0xFFFF;
	s2 =	simm.s32 @!p0 $0x1C03  }
0x159: {  	[timem:s3], [sflag:s2] =	dma.local @!p0 [hbm:s0], s1  }
0x15a: {  	s0 =	simm.s32 @!p0 $0x3  }
0x15b: {  	_ =	swait.ge @!p0 [sflag:s0], s1  }
0x15c: {  	s1 =	ssub.s32 @!p0 $0x0, s1;
	[sflag:s0] =	ssyncset.done @!p0 $0x0  }
0x15d: {  	[sflag:s0] =	ssyncadd.s32 @!p0 s1  }
0x15e: {  	[bflag:$0x3] =	sbarrier.arrive $0xFFFF  }
0x15f: {  	_ =	shalt  }

// kernel: kernel.9.cloned.1.call-start
scs
__scs_entry_jumppad:
0x0: {  	(pc) =	sbr.rel $0x88, $3  }
0x1: {  	(tag) =	ssettag $0x0;
	lr =	simm.s32 $0x1  }
0x2: {  	[smem:$0x3F9B] =	sst lr;
	_ =	strace $0xD0000000  }
0x3: {  	_ = 	snop  }
0x4: {  	_ = 	snop  }
0x5: {  	_ = 	snop  }
0x6: {  	_ = 	snop  }
0x7: {  	_ = 	snop  }
__scs_overlays_trampoline_lowered:
0x8: {  	[smem:$0x3FAA] =	sst s0  }
0x9: {  	[smem:$0x3FAB] =	sst s1  }
0xa: {  	[smem:$0x3FAC] =	sst s2  }
0xb: {  	[smem:$0x3FAD] =	sst s3  }
0xc: {  	[smem:$0x3FAE] =	sst s4  }
0xd: {  	[smem:$0x3FAF] =	sst s5  }
0xe: {  	[smem:$0x3FB0] =	sst s6  }
0xf: {  	[smem:$0x3FB1] =	sst s7  }
0x10: {  	[smem:$0x3FB2] =	sst s8  }
0x11: {  	[smem:$0x3FB3] =	sst s9;
	s0 =	simm.s32 @!p0 $0x0  }
0x12: {  	s1 =	sld [smem:$0x3F99];
	s0 =	simm.s32 @p0 $0x1  }
0x13: {  	[smem:$0x3FB4] =	sst s0;
	s0 =	simm.s32 @!p1 $0x0  }
0x14: {  	s2 =	sld [smem:$0x3F98];
	s0 =	simm.s32 @p1 $0x1  }
0x15: {  	[smem:$0x3FB5] =	sst s0;
	s0 =	simm.s32 @!p2 $0x0  }
0x16: {  	s3 =	sld [smem:$0x3FDB];
	s0 =	simm.s32 @p2 $0x1  }
0x17: {  	s4 =	simm.s32 $0x1BF5;
	[smem:$0x3FB7] =	sst s0  }
0x18: {  	s0 =	sld [smem:$0x3F9A];
	_ =	swait.ge [sflag:s4], $0x0  }
0x19: {  	s7 =	sld [smem:$0x3F9B]  }
0x1a: {  	s8 =	sadd.s32 $0xFFFFE003, lr  }
0x1b: {  	s9 =	sadd.s32 $0xFFFFFEF7, lr;
	s5 =	simm.s32 $0xFFFFFFFF;
	p2 =	slt.u32 s8, $0xFFFFF086  }
0x1c: {  	p1 =	slt.u32 s9, $0xF7A;
	s5 =	simm.s32 @!p2 $0x0  }
0x1d: {  	s5 =	simm.s32 @p1 $0x1;
	p0 =	seq.s32 s7, s2  }
0x1e: {  	s7 =	smul.u32 @!p0 $0xF7A, s2;
	p2 =	seq.s32 @!p0 s5, $0x0  }
0x1f: {  	s9 =	smul.u32 $0xF7A, s1;
	s8 =	simm.s32 @!p0 $0x1BF5;
	p2 =	por !p2, p0  }
0x20: {  	[sflag:s8] =	ssyncset.s32 @!p0 $0xFFFFF086;
	s6 =	sadd.s32 @!p0 s3, s7;
	s7 =	simm.s32 @!p0 $0x108  }
0x21: {  	s3 =	sadd.s32 s3, s9;
	s6 =	sadd.s32 @!p0 $0x88, s6;
	s7 =	simm.s32 @p2 $0x1082  }
0x22: {  	[simem:s7], [sflag:s8] =	dma.local @!p0 [hbm:s6], $0xF7A  }
0x23: {  	s9 =	sor.u32 $0xD0000000, s2;
	s6 =	simm.s32 $0x108;
	_ =	swait.ge @!p0 [sflag:s8], $0x0  }
0x24: {  	s3 =	sadd.s32 $0x88, s3;
	s6 =	simm.s32 @!p1 $0x1082;
	[sflag:s4] =	ssyncset.s32 $0xFFFFF086  }
0x25: {  	[simem:s6], [sflag:s4] =	dma.local [hbm:s3], $0xF7A  }
0x26: {  	[smem:$0x3F9B] =	sst s1;
	(tag) =	ssettag s2;
	_ =	strace s9  }
0x27: {  	s1 =	sld [smem:$0x3FAB]  }
0x28: {  	s2 =	sld [smem:$0x3FAC]  }
0x29: {  	s4 =	sld [smem:$0x3FAE]  }
0x2a: {  	p0 =	seq.s32 s5, $0x0;
	s5 =	sld [smem:$0x3FAF]  }
0x2b: {  	s6 =	sld [smem:$0x3FB0]  }
0x2c: {  	s7 =	sld [smem:$0x3FB1]  }
0x2d: {  	s3 =	simm.s32 $0x108;
	s8 =	sld [smem:$0x3FB2]  }
0x2e: {  	s3 =	simm.s32 @!p0 $0x1082;
	s9 =	sld [smem:$0x3FB3]  }
0x2f: {  	lr =	sadd.s32 s0, s3;
	s0 =	sld [smem:$0x3FAA]  }
0x30: {  	s3 =	sld [smem:$0x3FAD]  }
0x31: {  	[smem:$0x3FB6] =	sst s10  }
0x32: {  	s10 =	sld [smem:$0x3FB4];
	_ =	sdelay $0x3  }
0x33: {  	p0 =	seq.s32 s10, $0x1;
	s10 =	sld [smem:$0x3FB6];
	_ =	sdelay $0x3  }
0x34: {  	[smem:$0x3FB6] =	sst s10  }
0x35: {  	s10 =	sld [smem:$0x3FB5];
	_ =	sdelay $0x3  }
0x36: {  	p1 =	seq.s32 s10, $0x1;
	s10 =	sld [smem:$0x3FB6];
	_ =	sdelay $0x3  }
0x37: {  	[smem:$0x3FB6] =	sst s10  }
0x38: {  	s10 =	sld [smem:$0x3FB7]  }
0x39: {  	_ = 	snop;
	(pc) =	sbr.ind lr, $3  }
0x3a: {  	_ = 	snop  }
0x3b: {  	_ = 	snop  }
0x3c: {  	p2 =	seq.s32 s10, $0x1;
	s10 =	sld [smem:$0x3FB6]  }
0x3d: {  	_ =	shalt  }
0x3e: {  	_ =	shalt  }
0x3f: {  	_ =	shalt  }
0x40: {  	_ =	shalt  }
0x41: {  	_ =	shalt  }
0x42: {  	_ =	shalt  }
0x43: {  	_ =	shalt  }
0x44: {  	_ =	shalt  }
0x45: {  	_ =	shalt  }
0x46: {  	_ =	shalt  }
0x47: {  	_ =	shalt  }
0x48: {  	_ =	shalt  }
0x49: {  	_ =	shalt  }
0x4a: {  	_ =	shalt  }
0x4b: {  	_ =	shalt  }
0x4c: {  	_ =	shalt  }
0x4d: {  	_ =	shalt  }
0x4e: {  	_ =	shalt  }
0x4f: {  	_ =	shalt  }
0x50: {  	_ =	shalt  }
0x51: {  	_ =	shalt  }
0x52: {  	_ =	shalt  }
0x53: {  	_ =	shalt  }
0x54: {  	_ =	shalt  }
0x55: {  	_ =	shalt  }
0x56: {  	_ =	shalt  }
0x57: {  	_ =	shalt  }
0x58: {  	_ =	shalt  }
0x59: {  	_ =	shalt  }
0x5a: {  	_ =	shalt  }
0x5b: {  	_ =	shalt  }
0x5c: {  	_ =	shalt  }
0x5d: {  	_ =	shalt  }
0x5e: {  	_ =	shalt  }
0x5f: {  	_ =	shalt  }
0x60: {  	_ =	shalt  }
0x61: {  	_ =	shalt  }
0x62: {  	_ =	shalt  }
0x63: {  	_ =	shalt  }
0x64: {  	_ =	shalt  }
0x65: {  	_ =	shalt  }
0x66: {  	_ =	shalt  }
0x67: {  	_ =	shalt  }
0x68: {  	_ =	shalt  }
0x69: {  	_ =	shalt  }
0x6a: {  	_ =	shalt  }
0x6b: {  	_ =	shalt  }
0x6c: {  	_ =	shalt  }
0x6d: {  	_ =	shalt  }
0x6e: {  	_ =	shalt  }
0x6f: {  	_ =	shalt  }
0x70: {  	_ =	shalt  }
0x71: {  	_ =	shalt  }
0x72: {  	_ =	shalt  }
0x73: {  	_ =	shalt  }
0x74: {  	_ =	shalt  }
0x75: {  	_ =	shalt  }
0x76: {  	_ =	shalt  }
0x77: {  	_ =	shalt  }
0x78: {  	_ =	shalt  }
0x79: {  	_ =	shalt  }
0x7a: {  	_ =	shalt  }
0x7b: {  	_ =	shalt  }
0x7c: {  	_ =	shalt  }
0x7d: {  	_ =	shalt  }
0x7e: {  	_ =	shalt  }
0x7f: {  	_ =	shalt  }
0x80: {  	_ =	shalt  }
0x81: {  	_ =	shalt  }
0x82: {  	_ =	shalt  }
0x83: {  	_ =	shalt  }
0x84: {  	_ =	shalt  }
0x85: {  	_ =	shalt  }
0x86: {  	_ =	shalt  }
0x87: {  	_ =	shalt  }
.Lfunc_end0:
.L_simem_size_0:
called_computation.1_lowered:
.L_overlay_start_0:
0x88: {  	s2 =	sld [smem:$0x3FD9]  }
0x89: {  	s3 =	sld [smem:$0x3FFE];
	_ =	sdelay $0x1  }
0x8a: {  	s1 =	srdreg.scid  }
0x8b: {  	s0 =	sand.u32 $0x1, s1  }
0x8c: {  	s17 =	sshll.u32 s0, $0xA;
	s2 =	sadd.s32 s3, s2  }
0x8d: {  	s2 =	sadd.s32 s2, s17  }
0x8e: {  	[smem:$0x3FC2] =	sst s2  }
0x8f: {  	_ = 	snop  }
0x90: {  	s2 =	sld [smem:$0x3FC8]  }
0x91: {  	s18 =	sld [smem:$0x3FD0];
	(tm) =	ssettm $0x1  }
0x92: {  	s4 =	sld [smem:$0x3FFB];
	_ =	sdelay $0x3  }
0x93: {  	_ =	strace s4  }
0x94: {  	s4 =	sld [smem:$0x3FFC];
	_ =	sdelay $0x3  }
0x95: {  	_ =	strace s4  }
0x96: {  	s4 =	sld [smem:$0x3FFD];
	_ =	sdelay $0x3  }
0x97: {  	_ =	strace s4  }
0x98: {  	_ =	strace $0x8FFFFFFF  }
0x99: {  	s19 =	sld [smem:$0x3FDB];
	_ =	sdelay $0x1  }
0x9a: {  	s5 =	simm.s32 $_scs_section_size  }
0x9b: {  	s6 =	simm.s32 $_size__tile_overlayer_lowered;
	s7 =	simm.s32 $_tile_overlayer_lowered  }
0x9c: {  	s22 =	simm.s32 $0x1BFF;
	s21 =	sshll.u32 s7, $0x1;
	s4 =	sadd.s32 s5, s19  }
0x9d: {  	s8 =	simm.s32 $0x0;
	s20 =	sshll.u32 s6, $0x1;
	s6 =	sadd.s32 s21, s4  }
0x9e: {  	[timem:s8], [sflag:s22] =	dma.local [hbm:s6], s20  }
0x9f: {  	_ =	swait.ge [sflag:s22], s20  }
0xa0: {  	s5 =	ssub.s32 $0x0, s20;
	[sflag:s22] =	ssyncset.done $0x0  }
0xa1: {  	[sflag:s22] =	ssyncadd.s32 s5;
	_ =	sdelay $0x1  }
0xa2: {  	s23 =	simm.s32 $0x1B8B  }
0xa3: {  	_ =	swait.ge [sflag:s23], $0x1  }
0xa4: {  	[sflag:s23] =	ssyncset.done $0x0  }
0xa5: {  	s25 =	simm.s32 $0x1B8E;
	s24 =	sld [smem:$0x3FFE];
	[sflag:s23] =	ssyncadd.s32 $0xFFFFFFFF  }
0xa6: {  	s26 =	simm.s32 $execute0_lowered;
	[smem:$0x3FD2] =	sst s25  }
0xa7: {  	s6 =	sshll.u32 s26, $0x1;
	_ =	strace $0x80000049;
	[dreg:$0x1] =	wrdreg $0xFFFFFFFF  }
0xa8: {  	s28 =	simm.s32 $_size_execute0_lowered;
	s4 =	sadd.s32 s4, s6;
	[dreg:$0x0] =	wrdreg $0x0  }
0xa9: {  	s6 =	sshll.u32 s28, $0x1;
	[dreg:$0x2] =	wrdreg s4  }
0xaa: {  	[dreg:$0x3] =	wrdreg s6  }
0xab: {  	[dreg:$0x4] =	wrdreg $0xC0  }
0xac: {  	_ =	task [dreg:s8], $0x5FFFF  }
0xad: {  	[dreg:$0x1] =	wrdreg $0xFFFFFFFF  }
0xae: {  	[dreg:$0x0] =	wrdreg $0x60  }
0xaf: {  	[dreg:$0x2] =	wrdreg s24  }
0xb0: {  	[dreg:$0x3] =	wrdreg s2  }
0xb1: {  	[dreg:$0x4] =	wrdreg s18  }
0xb2: {  	[dreg:$0x5] =	wrdreg $0xA8000  }
0xb3: {  	[dreg:$0x6] =	wrdreg $0x9  }
0xb4: {  	_ =	task.clear_ibuf [dreg:s8], $0x7FFFF;
	_ =	strace $0x90000049  }
0xb5: {  	s29 =	simm.s32 $0x9;
	_ =	strace $0x8000004B  }
0xb6: {  	_ =	swait.ge [sflag:s29], $0x1  }
0xb7: {  	[sflag:s29] =	ssyncadd.s32 $0xFFFFFFFF  }
0xb8: {  	_ =	strace $0x9000004B  }
0xb9: {  	_ =	sfence  }
0xba: {  	s30 =	sld [smem:$0x0];
	_ =	sdelay $0x2  }
0xbb: {  	s31 =	sshll.u32 s1, $0xD;
	s1 =	sshrl.u32 s1, $0x2  }
0xbc: {  	s3 =	sand.u32 $0x4000, s31;
	s1 =	sadd.s32 s1, s30  }
0xbd: {  	s0 =	sor.u32 s3, s0;
	s1 =	sshll.u32 s1, $0x11  }
0xbe: {  	s0 =	sor.u32 s1, s0  }
0xbf: {  	s0 =	sadd.s32 $0x8F2B, s0  }
0xc0: {  	[sflag:s0] =	ssyncadd.remote.s32 $0x1  }
0xc1: {  	_ =	sfence.sel $0xFFFF  }
0xc2: {  	[dreg:$0x0] =	wrdreg $0xFFFFFFFF;
	(pc) =	sbr.abs _section_cstart, $3  }
0xc3: {  	[dreg:$0x1] =	wrdreg $0xFFFFFFFF  }
0xc4: {  	_ =	task.clear_ibuf [dreg:s8], $0x2FFFF;
	_ =	strace $0x9FFFFFFF  }
0xc5: {  	(tm) =	ssettm $0x7FFFFFFF  }
tec
execute0_lowered:
.L_overlay_start_1:
0x0: {  	(tag) =	ssettag $0x1  }
0x1: {  	s0 =	rddreg [dreg:$0x0]  }
0x2: {  	s1 =	rddreg [dreg:$0x1]  }
0x3: {  	s2 =	rddreg [dreg:$0x2];
	s4 =	srdreg.scid  }
0x4: {  	s3 =	rddreg [dreg:$0x3];
	s11 =	stileid.u32  }
0x5: {  	s17 =	simm.s32 $0x80;
	s18 =	simm.s32 $0x100;
	s19 =	simm.s32 $0x1400  }
0x6: {  	s20 =	simm.s32 $0x2800;
	s21 =	simm.s32 $0x6800;
	s22 =	simm.s32 $0x1  }
0x7: {  	s23 =	simm.s32 $0x2;
	s31 =	simm.s32 $0x1380;
	s24 =	simm.s32 $0x0  }
0x8: {  	s5 =	sand.u32 $0x1, s4;
	s4 =	simm.s32 $0x0;
	s7 =	smul.u32 $0x13C00, s11  }
0x9: {  	s25 =	sshll.u32 s11, $0x1;
	s26 =	smul.u32 $0x4F000, s11;
	s29 =	sshll.u32 s11, $0x6  }
0xa: {  	s11 =	sadd.s32 $0x13610, s1;
	s12 =	sadd.s32 $0x13600, s1;
	s6 =	smul.u32 $0x13C000, s5  }
0xb: {  	[smem:$0x7FF] =	sst s4;
	s8 =	ssub.s32 $0x2, s5;
	s15 =	sor.u32 s5, s25  }
0xc: {  	s5 =	sadd.s32 $0x2000, s0;
	_ =	strace $0x8000004A;
	s9 =	sshrl.u32 s8, $0x1  }
0xd: {  	s10 =	smul.u32 $0x5000, s15;
	s28 =	sshrl.u32 s26, $0x2;
	p0 =	seq.s32 s15, $0x1F  }
0xe: {  	s6 =	sadd.s32 s7, s6;
	s14 =	ssub.s32 s8, s9;
	s16 =	sadd.s32 s28, s3  }
.Ltmp0:
0xf: {  	s6 =	sshrl.u32 s6, $0x3;
	s30 =	sshrl.u32 s10, $0x3;
	(pc) =	sbr.rel .LBB2_1-.Ltmp0, $4  }
0x10: {  	s14 =	smax.u32 s14, $0x1;
	s15 =	sshrl.u32 s16, $0x3;
	s16 =	simm.s32 $0x3  }
0x11: {  	s0 =	sadd.s32 s6, s0;
	s6 =	sor.u32 $0x1C03, s29;
	s7 =	sadd.s32 s1, s30  }
0x12: {  	s1 =	simm.s32 $0x2780;
	s8 =	sadd.s32 $0x10, s7;
	s9 =	sadd.s32 $0x510, s7  }
0x13: {  	s10 =	sadd.s32 $0x500, s7;
	s13 =	sadd.s32 $0x29800, s0;
	s0 =	simm.s32 $0x2700  }
.LBB2_8:
0x14: {  	[tilespmem:s4], [sflag:$0x3] =	stream.strided.gather [hbm4b:s11+s17], $0xA00, s18, s17, $0x38;
	[tilespmem:$0x1E400] =	vst v63  }
0x15: {  	_ =	swait.ge [sflag:s16], $0xA00  }
0x16: {  	[sflag:s16] =	ssyncset.done $0x0  }
0x17: {  	[sflag:s16] =	ssyncadd.s32 $0xFFFFF600  }
0x18: {  	[tilespmem:s19], [sflag:$0x3] =	stream.strided.gather [hbm4b:s12+s17], $0xA00, s18, s17, $0x38;
	[tilespmem:$0x1E400] =	vst v63  }
0x19: {  	_ =	swait.ge [sflag:s16], $0xA00  }
0x1a: {  	[sflag:s16] =	ssyncset.done $0x0  }
0x1b: {  	[sflag:s16] =	ssyncadd.s32 $0xFFFFF600  }
0x1c: {  	[tilespmem:s20], [sflag:$0x1] =	stream.indirect.gather [hbm4b:s5+s17], $0x80, s4, s17, $0xb8;
	[tilespmem:$0x1E400] =	vst v63  }
0x1d: {  	_ = 	snop  }
0x1e: {  	[tilespmem:s21], [sflag:$0x2] =	stream.indirect.gather [hbm4b:s5+s17], $0x80, s17, s17, $0xb8;
	[tilespmem:$0x1E400] =	vst v63  }
0x1f: {  	_ =	swait.ge [sflag:s22], $0x4000  }
0x20: {  	[sflag:s22] =	ssyncset.done $0x0  }
0x21: {  	[sflag:s22] =	ssyncadd.s32 $0xFFFFC000  }
0x22: {  	[spmem:s3] =	stream.indirect.scatter.add.f32 [tilespmem:s20], [sflag:$0x3], $0x80, s19, s17, $0xb8;
	[tilespmem:$0x1E400] =	vst v63  }
0x23: {  	_ =	swait.ge [sflag:s16], $0x4000  }
0x24: {  	[sflag:s16] =	ssyncset.done $0x0  }
0x25: {  	[sflag:s16] =	ssyncadd.s32 $0xFFFFC000  }
0x26: {  	[tilespmem:s20], [sflag:$0x1] =	stream.indirect.gather [hbm4b:s5+s17], $0x80, s18, s17, $0xb8;
	[tilespmem:$0x1E400] =	vst v63  }
0x27: {  	_ =	swait.ge [sflag:s23], $0x4000  }
0x28: {  	[sflag:s23] =	ssyncset.done $0x0  }
0x29: {  	s25 =	simm.s32 $0x1480;
	[sflag:s23] =	ssyncadd.s32 $0xFFFFC000  }
0x2a: {  	[spmem:s3] =	stream.indirect.scatter.add.f32 [tilespmem:s21], [sflag:$0x3], $0x80, s25, s17, $0xb8;
	[tilespmem:$0x1E400] =	vst v63  }
0x2b: {  	_ =	swait.ge [sflag:s16], $0x4000  }
0x2c: {  	[sflag:s16] =	ssyncset.done $0x0  }
0x2d: {  	s29 =	simm.s32 $0x180;
	[sflag:s16] =	ssyncadd.s32 $0xFFFFC000  }
0x2e: {  	[tilespmem:s21], [sflag:$0x2] =	stream.indirect.gather [hbm4b:s5+s17], $0x80, s29, s17, $0xb8;
	[tilespmem:$0x1E400] =	vst v63  }
0x2f: {  	_ =	swait.ge [sflag:s22], $0x4000  }
0x30: {  	[sflag:s22] =	ssyncset.done $0x0  }
0x31: {  	s30 =	simm.s32 $0x1500;
	[sflag:s22] =	ssyncadd.s32 $0xFFFFC000  }
0x32: {  	[spmem:s3] =	stream.indirect.scatter.add.f32 [tilespmem:s20], [sflag:$0x3], $0x80, s30, s17, $0xb8;
	[tilespmem:$0x1E400] =	vst v63  }
0x33: {  	_ =	swait.ge [sflag:s16], $0x4000  }
0x34: {  	[sflag:s16] =	ssyncset.done $0x0  }
0x35: {  	s26 =	simm.s32 $0x200;
	[sflag:s16] =	ssyncadd.s32 $0xFFFFC000  }
0x36: {  	[tilespmem:s20], [sflag:$0x1] =	stream.indirect.gather [hbm4b:s5+s17], $0x80, s26, s17, $0xb8;
	[tilespmem:$0x1E400] =	vst v63  }
0x37: {  	_ =	swait.ge [sflag:s23], $0x4000  }
0x38: {  	[sflag:s23] =	ssyncset.done $0x0  }
0x39: {  	s29 =	simm.s32 $0x1580;
	[sflag:s23] =	ssyncadd.s32 $0xFFFFC000  }
0x3a: {  	[spmem:s3] =	stream.indirect.scatter.add.f32 [tilespmem:s21], [sflag:$0x3], $0x80, s29, s17, $0xb8;
	[tilespmem:$0x1E400] =	vst v63  }
0x3b: {  	_ =	swait.ge [sflag:s16], $0x4000  }
0x3c: {  	[sflag:s16] =	ssyncset.done $0x0  }
0x3d: {  	s30 =	simm.s32 $0x280;
	[sflag:s16] =	ssyncadd.s32 $0xFFFFC000  }
0x3e: {  	[tilespmem:s21], [sflag:$0x2] =	stream.indirect.gather [hbm4b:s5+s17], $0x80, s30, s17, $0xb8;
	[tilespmem:$0x1E400] =	vst v63  }
0x3f: {  	_ =	swait.ge [sflag:s22], $0x4000  }
0x40: {  	[sflag:s22] =	ssyncset.done $0x0  }
0x41: {  	s26 =	simm.s32 $0x1600;
	[sflag:s22] =	ssyncadd.s32 $0xFFFFC000  }
0x42: {  	[spmem:s3] =	stream.indirect.scatter.add.f32 [tilespmem:s20], [sflag:$0x3], $0x80, s26, s17, $0xb8;
	[tilespmem:$0x1E400] =	vst v63  }
0x43: {  	_ =	swait.ge [sflag:s16], $0x4000  }
0x44: {  	[sflag:s16] =	ssyncset.done $0x0  }
0x45: {  	s29 =	simm.s32 $0x300;
	[sflag:s16] =	ssyncadd.s32 $0xFFFFC000  }
0x46: {  	[tilespmem:s20], [sflag:$0x1] =	stream.indirect.gather [hbm4b:s5+s17], $0x80, s29, s17, $0xb8;
	[tilespmem:$0x1E400] =	vst v63  }
0x47: {  	_ =	swait.ge [sflag:s23], $0x4000  }
0x48: {  	[sflag:s23] =	ssyncset.done $0x0  }
0x49: {  	s30 =	simm.s32 $0x1680;
	[sflag:s23] =	ssyncadd.s32 $0xFFFFC000  }
0x4a: {  	[spmem:s3] =	stream.indirect.scatter.add.f32 [tilespmem:s21], [sflag:$0x3], $0x80, s30, s17, $0xb8;
	[tilespmem:$0x1E400] =	vst v63  }
0x4b: {  	_ =	swait.ge [sflag:s16], $0x4000  }
0x4c: {  	[sflag:s16] =	ssyncset.done $0x0  }
0x4d: {  	s26 =	simm.s32 $0x380;
	[sflag:s16] =	ssyncadd.s32 $0xFFFFC000  }
0x4e: {  	[tilespmem:s21], [sflag:$0x2] =	stream.indirect.gather [hbm4b:s5+s17], $0x80, s26, s17, $0xb8;
	[tilespmem:$0x1E400] =	vst v63  }
0x4f: {  	_ =	swait.ge [sflag:s22], $0x4000  }
0x50: {  	[sflag:s22] =	ssyncset.done $0x0  }
0x51: {  	s29 =	simm.s32 $0x1700;
	[sflag:s22] =	ssyncadd.s32 $0xFFFFC000  }
0x52: {  	[spmem:s3] =	stream.indirect.scatter.add.f32 [tilespmem:s20], [sflag:$0x3], $0x80, s29, s17, $0xb8;
	[tilespmem:$0x1E400] =	vst v63  }
0x53: {  	_ =	swait.ge [sflag:s16], $0x4000  }
0x54: {  	[sflag:s16] =	ssyncset.done $0x0  }
0x55: {  	s30 =	simm.s32 $0x400;
	[sflag:s16] =	ssyncadd.s32 $0xFFFFC000  }
0x56: {  	[tilespmem:s20], [sflag:$0x1] =	stream.indirect.gather [hbm4b:s5+s17], $0x80, s30, s17, $0xb8;
	[tilespmem:$0x1E400] =	vst v63  }
0x57: {  	_ =	swait.ge [sflag:s23], $0x4000  }
0x58: {  	[sflag:s23] =	ssyncset.done $0x0  }
0x59: {  	s26 =	simm.s32 $0x1780;
	[sflag:s23] =	ssyncadd.s32 $0xFFFFC000  }
0x5a: {  	[spmem:s3] =	stream.indirect.scatter.add.f32 [tilespmem:s21], [sflag:$0x3], $0x80, s26, s17, $0xb8;
	[tilespmem:$0x1E400] =	vst v63  }
0x5b: {  	_ =	swait.ge [sflag:s16], $0x4000  }
0x5c: {  	[sflag:s16] =	ssyncset.done $0x0  }
0x5d: {  	s29 =	simm.s32 $0x480;
	[sflag:s16] =	ssyncadd.s32 $0xFFFFC000  }
0x5e: {  	[tilespmem:s21], [sflag:$0x2] =	stream.indirect.gather [hbm4b:s5+s17], $0x80, s29, s17, $0xb8;
	[tilespmem:$0x1E400] =	vst v63  }
0x5f: {  	_ =	swait.ge [sflag:s22], $0x4000  }
0x60: {  	[sflag:s22] =	ssyncset.done $0x0  }
0x61: {  	s30 =	simm.s32 $0x1800;
	[sflag:s22] =	ssyncadd.s32 $0xFFFFC000  }
0x62: {  	[spmem:s3] =	stream.indirect.scatter.add.f32 [tilespmem:s20], [sflag:$0x3], $0x80, s30, s17, $0xb8;
	[tilespmem:$0x1E400] =	vst v63  }
0x63: {  	_ =	swait.ge [sflag:s16], $0x4000  }
0x64: {  	[sflag:s16] =	ssyncset.done $0x0  }
0x65: {  	s26 =	simm.s32 $0x500;
	[sflag:s16] =	ssyncadd.s32 $0xFFFFC000  }
0x66: {  	[tilespmem:s20], [sflag:$0x1] =	stream.indirect.gather [hbm4b:s5+s17], $0x80, s26, s17, $0xb8;
	[tilespmem:$0x1E400] =	vst v63  }
0x67: {  	_ =	swait.ge [sflag:s23], $0x4000  }
0x68: {  	[sflag:s23] =	ssyncset.done $0x0  }
0x69: {  	s29 =	simm.s32 $0x1880;
	[sflag:s23] =	ssyncadd.s32 $0xFFFFC000  }
0x6a: {  	[spmem:s3] =	stream.indirect.scatter.add.f32 [tilespmem:s21], [sflag:$0x3], $0x80, s29, s17, $0xb8;
	[tilespmem:$0x1E400] =	vst v63  }
0x6b: {  	_ =	swait.ge [sflag:s16], $0x4000  }
0x6c: {  	[sflag:s16] =	ssyncset.done $0x0  }
0x6d: {  	s30 =	simm.s32 $0x580;
	[sflag:s16] =	ssyncadd.s32 $0xFFFFC000  }
0x6e: {  	[tilespmem:s21], [sflag:$0x2] =	stream.indirect.gather [hbm4b:s5+s17], $0x80, s30, s17, $0xb8;
	[tilespmem:$0x1E400] =	vst v63  }
0x6f: {  	_ =	swait.ge [sflag:s22], $0x4000  }
0x70: {  	[sflag:s22] =	ssyncset.done $0x0  }
0x71: {  	s26 =	simm.s32 $0x1900;
	[sflag:s22] =	ssyncadd.s32 $0xFFFFC000  }
0x72: {  	[spmem:s3] =	stream.indirect.scatter.add.f32 [tilespmem:s20], [sflag:$0x3], $0x80, s26, s17, $0xb8;
	[tilespmem:$0x1E400] =	vst v63  }
0x73: {  	_ =	swait.ge [sflag:s16], $0x4000  }
0x74: {  	[sflag:s16] =	ssyncset.done $0x0  }
0x75: {  	s29 =	simm.s32 $0x600;
	[sflag:s16] =	ssyncadd.s32 $0xFFFFC000  }
0x76: {  	[tilespmem:s20], [sflag:$0x1] =	stream.indirect.gather [hbm4b:s5+s17], $0x80, s29, s17, $0xb8;
	[tilespmem:$0x1E400] =	vst v63  }
0x77: {  	_ =	swait.ge [sflag:s23], $0x4000  }
0x78: {  	[sflag:s23] =	ssyncset.done $0x0  }
0x79: {  	s30 =	simm.s32 $0x1980;
	[sflag:s23] =	ssyncadd.s32 $0xFFFFC000  }
0x7a: {  	[spmem:s3] =	stream.indirect.scatter.add.f32 [tilespmem:s21], [sflag:$0x3], $0x80, s30, s17, $0xb8;
	[tilespmem:$0x1E400] =	vst v63  }
0x7b: {  	_ =	swait.ge [sflag:s16], $0x4000  }
0x7c: {  	[sflag:s16] =	ssyncset.done $0x0  }
0x7d: {  	s26 =	simm.s32 $0x680;
	[sflag:s16] =	ssyncadd.s32 $0xFFFFC000  }
0x7e: {  	[tilespmem:s21], [sflag:$0x2] =	stream.indirect.gather [hbm4b:s5+s17], $0x80, s26, s17, $0xb8;
	[tilespmem:$0x1E400] =	vst v63  }
0x7f: {  	_ =	swait.ge [sflag:s22], $0x4000  }
0x80: {  	[sflag:s22] =	ssyncset.done $0x0  }
0x81: {  	s29 =	simm.s32 $0x1A00;
	[sflag:s22] =	ssyncadd.s32 $0xFFFFC000  }
0x82: {  	[spmem:s3] =	stream.indirect.scatter.add.f32 [tilespmem:s20], [sflag:$0x3], $0x80, s29, s17, $0xb8;
	[tilespmem:$0x1E400] =	vst v63  }
0x83: {  	_ =	swait.ge [sflag:s16], $0x4000  }
0x84: {  	[sflag:s16] =	ssyncset.done $0x0  }
0x85: {  	s30 =	simm.s32 $0x700;
	[sflag:s16] =	ssyncadd.s32 $0xFFFFC000  }
0x86: {  	[tilespmem:s20], [sflag:$0x1] =	stream.indirect.gather [hbm4b:s5+s17], $0x80, s30, s17, $0xb8;
	[tilespmem:$0x1E400] =	vst v63  }
0x87: {  	_ =	swait.ge [sflag:s23], $0x4000  }
0x88: {  	[sflag:s23] =	ssyncset.done $0x0  }
0x89: {  	s26 =	simm.s32 $0x1A80;
	[sflag:s23] =	ssyncadd.s32 $0xFFFFC000  }
0x8a: {  	[spmem:s3] =	stream.indirect.scatter.add.f32 [tilespmem:s21], [sflag:$0x3], $0x80, s26, s17, $0xb8;
	[tilespmem:$0x1E400] =	vst v63  }
0x8b: {  	_ =	swait.ge [sflag:s16], $0x4000  }
0x8c: {  	[sflag:s16] =	ssyncset.done $0x0  }
0x8d: {  	s29 =	simm.s32 $0x780;
	[sflag:s16] =	ssyncadd.s32 $0xFFFFC000  }
0x8e: {  	[tilespmem:s21], [sflag:$0x2] =	stream.indirect.gather [hbm4b:s5+s17], $0x80, s29, s17, $0xb8;
	[tilespmem:$0x1E400] =	vst v63  }
0x8f: {  	_ =	swait.ge [sflag:s22], $0x4000  }
0x90: {  	[sflag:s22] =	ssyncset.done $0x0  }
0x91: {  	s30 =	simm.s32 $0x1B00;
	[sflag:s22] =	ssyncadd.s32 $0xFFFFC000  }
0x92: {  	[spmem:s3] =	stream.indirect.scatter.add.f32 [tilespmem:s20], [sflag:$0x3], $0x80, s30, s17, $0xb8;
	[tilespmem:$0x1E400] =	vst v63  }
0x93: {  	_ =	swait.ge [sflag:s16], $0x4000  }
0x94: {  	[sflag:s16] =	ssyncset.done $0x0  }
0x95: {  	s26 =	simm.s32 $0x800;
	[sflag:s16] =	ssyncadd.s32 $0xFFFFC000  }
0x96: {  	[tilespmem:s20], [sflag:$0x1] =	stream.indirect.gather [hbm4b:s5+s17], $0x80, s26, s17, $0xb8;
	[tilespmem:$0x1E400] =	vst v63  }
0x97: {  	_ =	swait.ge [sflag:s23], $0x4000  }
0x98: {  	[sflag:s23] =	ssyncset.done $0x0  }
0x99: {  	s29 =	simm.s32 $0x1B80;
	[sflag:s23] =	ssyncadd.s32 $0xFFFFC000  }
0x9a: {  	[spmem:s3] =	stream.indirect.scatter.add.f32 [tilespmem:s21], [sflag:$0x3], $0x80, s29, s17, $0xb8;
	[tilespmem:$0x1E400] =	vst v63  }
0x9b: {  	_ =	swait.ge [sflag:s16], $0x4000  }
0x9c: {  	[sflag:s16] =	ssyncset.done $0x0  }
0x9d: {  	s30 =	simm.s32 $0x880;
	[sflag:s16] =	ssyncadd.s32 $0xFFFFC000  }
0x9e: {  	[tilespmem:s21], [sflag:$0x2] =	stream.indirect.gather [hbm4b:s5+s17], $0x80, s30, s17, $0xb8;
	[tilespmem:$0x1E400] =	vst v63  }
0x9f: {  	_ =	swait.ge [sflag:s22], $0x4000  }
0xa0: {  	[sflag:s22] =	ssyncset.done $0x0  }
0xa1: {  	s26 =	simm.s32 $0x1C00;
	[sflag:s22] =	ssyncadd.s32 $0xFFFFC000  }
0xa2: {  	[spmem:s3] =	stream.indirect.scatter.add.f32 [tilespmem:s20], [sflag:$0x3], $0x80, s26, s17, $0xb8;
	[tilespmem:$0x1E400] =	vst v63  }
0xa3: {  	_ =	swait.ge [sflag:s16], $0x4000  }
0xa4: {  	[sflag:s16] =	ssyncset.done $0x0  }
0xa5: {  	s29 =	simm.s32 $0x900;
	[sflag:s16] =	ssyncadd.s32 $0xFFFFC000  }
0xa6: {  	[tilespmem:s20], [sflag:$0x1] =	stream.indirect.gather [hbm4b:s5+s17], $0x80, s29, s17, $0xb8;
	[tilespmem:$0x1E400] =	vst v63  }
0xa7: {  	_ =	swait.ge [sflag:s23], $0x4000  }
0xa8: {  	[sflag:s23] =	ssyncset.done $0x0  }
0xa9: {  	s30 =	simm.s32 $0x1C80;
	[sflag:s23] =	ssyncadd.s32 $0xFFFFC000  }
0xaa: {  	[spmem:s3] =	stream.indirect.scatter.add.f32 [tilespmem:s21], [sflag:$0x3], $0x80, s30, s17, $0xb8;
	[tilespmem:$0x1E400] =	vst v63  }
0xab: {  	_ =	swait.ge [sflag:s16], $0x4000  }
0xac: {  	s28 =	simm.s32 $0x980;
	[sflag:s16] =	ssyncset.done $0x0  }
0xad: {  	s25 =	simm.s32 $0x1D80;
	s26 =	simm.s32 $0x1D00;
	[sflag:s16] =	ssyncadd.s32 $0xFFFFC000  }
.LBB2_9:
0xae: {  	[tilespmem:s21], [sflag:$0x2] =	stream.indirect.gather [hbm4b:s5+s17], $0x80, s28, s17, $0xb8;
	[tilespmem:$0x1E400] =	vst v63  }
0xaf: {  	_ =	swait.ge [sflag:s22], $0x4000  }
0xb0: {  	[sflag:s22] =	ssyncset.done $0x0  }
0xb1: {  	[sflag:s22] =	ssyncadd.s32 $0xFFFFC000  }
0xb2: {  	[spmem:s3] =	stream.indirect.scatter.add.f32 [tilespmem:s20], [sflag:$0x3], $0x80, s26, s17, $0xb8;
	[tilespmem:$0x1E400] =	vst v63  }
0xb3: {  	_ =	swait.ge [sflag:s16], $0x4000  }
0xb4: {  	[sflag:s16] =	ssyncset.done $0x0  }
0xb5: {  	[sflag:s16] =	ssyncadd.s32 $0xFFFFC000  }
0xb6: {  	_ =	swait.ge [sflag:s23], $0x4000  }
0xb7: {  	[sflag:s23] =	ssyncset.done $0x0  }
0xb8: {  	[sflag:s23] =	ssyncadd.s32 $0xFFFFC000  }
0xb9: {  	[spmem:s3] =	stream.indirect.scatter.add.f32 [tilespmem:s21], [sflag:$0x3], $0x80, s25, s17, $0xb8;
	[tilespmem:$0x1E400] =	vst v63  }
0xba: {  	_ =	swait.ge [sflag:s16], $0x4000  }
0xbb: {  	s24 =	sadd.s32 $0x1, s24;
	[sflag:s16] =	ssyncset.done $0x0  }
0xbc: {  	p1 =	sne.s32 s24, s14;
	[sflag:s16] =	ssyncadd.s32 $0xFFFFC000  }
.Ltmp1:
0xbd: {  	[bflag:$0x0] =	sbarrier.arrive $0xFFFF;
	(pc) =	sbr.rel @!p1 .LBB2_10-.Ltmp1, $4  }
0xbe: {  	[hbm:s13], [sflag:s6] =	dma.local [spmem:s15], $0x2780  }
0xbf: {  	_ =	swait.ge [sflag:s16], $0x2780  }
0xc0: {  	[sflag:s16] =	ssyncset.done $0x0  }
0xc1: {  	[sflag:s16] =	ssyncadd.s32 $0xFFFFD880  }
.LBB2_1:
0xc2: {  	[spmem:s15], [sflag:s6] =	dma.local [hbm:s2], $0x2780  }
.Ltmp2:
0xc3: {  	_ =	swait.ge [sflag:s16], $0x2780;
	(pc) =	sbr.rel @p0 .LBB2_8-.Ltmp2, $3  }
0xc4: {  	[sflag:s16] =	ssyncset.done $0x0  }
0xc5: {  	[sflag:s16] =	ssyncadd.s32 $0xFFFFD880  }
0xc6: {  	[bflag:$0x0] =	sbarrier.arrive $0xFFFF;
	_ =	sdelay $0x1  }
0xc7: {  	s25 =	simm.s32 $0x0  }
0xc8: {  	[tilespmem:s25], [sflag:$0x3] =	stream.strided.gather [hbm4b:s8+s17], $0x1400, s18, s17, $0x38;
	[tilespmem:$0x1E400] =	vst v63  }
0xc9: {  	_ =	swait.ge [sflag:s16], $0x1400  }
0xca: {  	[sflag:s16] =	ssyncset.done $0x0  }
0xcb: {  	[sflag:s16] =	ssyncadd.s32 $0xFFFFEC00  }
0xcc: {  	[tilespmem:s19], [sflag:$0x3] =	stream.strided.gather [hbm4b:s7+s17], $0x1400, s18, s17, $0x38;
	[tilespmem:$0x1E400] =	vst v63  }
0xcd: {  	_ =	swait.ge [sflag:s16], $0x1400  }
0xce: {  	[sflag:s16] =	ssyncset.done $0x0  }
0xcf: {  	[sflag:s16] =	ssyncadd.s32 $0xFFFFEC00  }
0xd0: {  	[tilespmem:s20], [sflag:$0x1] =	stream.indirect.gather [hbm4b:s5+s17], $0x80, s25, s17, $0xb8;
	[tilespmem:$0x1E400] =	vst v63  }
0xd1: {  	s26 =	simm.s32 $0x80  }
0xd2: {  	[tilespmem:s21], [sflag:$0x2] =	stream.indirect.gather [hbm4b:s5+s17], $0x80, s26, s17, $0xb8;
	[tilespmem:$0x1E400] =	vst v63  }
0xd3: {  	_ =	swait.ge [sflag:s22], $0x4000  }
0xd4: {  	[sflag:s22] =	ssyncset.done $0x0  }
0xd5: {  	s28 =	simm.s32 $0x1400;
	[sflag:s22] =	ssyncadd.s32 $0xFFFFC000  }
0xd6: {  	[spmem:s3] =	stream.indirect.scatter.add.f32 [tilespmem:s20], [sflag:$0x3], $0x80, s28, s17, $0xb8;
	[tilespmem:$0x1E400] =	vst v63  }
0xd7: {  	_ =	swait.ge [sflag:s16], $0x4000  }
0xd8: {  	[sflag:s16] =	ssyncset.done $0x0  }
0xd9: {  	s29 =	simm.s32 $0x100;
	[sflag:s16] =	ssyncadd.s32 $0xFFFFC000  }
0xda: {  	[tilespmem:s20], [sflag:$0x1] =	stream.indirect.gather [hbm4b:s5+s17], $0x80, s29, s17, $0xb8;
	[tilespmem:$0x1E400] =	vst v63  }
0xdb: {  	_ =	swait.ge [sflag:s23], $0x4000  }
0xdc: {  	[sflag:s23] =	ssyncset.done $0x0  }
0xdd: {  	s30 =	simm.s32 $0x1480;
	[sflag:s23] =	ssyncadd.s32 $0xFFFFC000  }
0xde: {  	[spmem:s3] =	stream.indirect.scatter.add.f32 [tilespmem:s21], [sflag:$0x3], $0x80, s30, s17, $0xb8;
	[tilespmem:$0x1E400] =	vst v63  }
0xdf: {  	_ =	swait.ge [sflag:s16], $0x4000  }
0xe0: {  	s25 =	simm.s32 $0x100;
	s26 =	simm.s32 $0x800;
	[sflag:s16] =	ssyncset.done $0x0  }
.LBB2_3:
0xe1: {  	s28 =	sadd.s32 $0x80, s25  }
0xe2: {  	[sflag:s16] =	ssyncadd.s32 $0xFFFFC000;
	s29 =	smov.u32 s26;
	s30 =	sadd.s32 $0x400, s26  }
0xe3: {  	[tilespmem:s21], [sflag:$0x2] =	stream.indirect.gather [hbm4b:s5+s17], $0x80, s28, s17, $0xb8;
	[tilespmem:$0x1E400] =	vst v63  }
0xe4: {  	p1 =	sne.s32 s26, $0x4800;
	_ =	swait.ge [sflag:s22], $0x4000  }
0xe5: {  	[sflag:s22] =	ssyncset.done $0x0  }
0xe6: {  	s26 =	sadd.s32 $0x1400, s25;
	[sflag:s22] =	ssyncadd.s32 $0xFFFFC000  }
0xe7: {  	[spmem:s3] =	stream.indirect.scatter.add.f32 [tilespmem:s20], [sflag:$0x3], $0x80, s26, s17, $0xb8;
	[tilespmem:$0x1E400] =	vst v63  }
0xe8: {  	_ =	swait.ge [sflag:s16], $0x4000  }
0xe9: {  	[sflag:s16] =	ssyncset.done $0x0  }
0xea: {  	s26 =	sadd.s32 $0x100, s25;
	[sflag:s16] =	ssyncadd.s32 $0xFFFFC000  }
0xeb: {  	[tilespmem:s20], [sflag:$0x1] =	stream.indirect.gather [hbm4b:s5+s17], $0x80, s26, s17, $0xb8;
	[tilespmem:$0x1E400] =	vst v63  }
0xec: {  	_ =	swait.ge [sflag:s23], $0x4000  }
.Ltmp3:
0xed: {  	[sflag:s23] =	ssyncset.done $0x0;
	(pc) =	sbr.rel @p1 .LBB2_3-.Ltmp3, $4  }
0xee: {  	s25 =	sadd.s32 $0x1480, s25;
	[sflag:s23] =	ssyncadd.s32 $0xFFFFC000  }
0xef: {  	[spmem:s3] =	stream.indirect.scatter.add.f32 [tilespmem:s21], [sflag:$0x3], $0x80, s25, s17, $0xb8;
	[tilespmem:$0x1E400] =	vst v63  }
0xf0: {  	_ =	swait.ge [sflag:s16], $0x4000  }
0xf1: {  	s26 =	smov.u32 s30;
	s25 =	sshra.s32 s29, $0x2;
	[sflag:s16] =	ssyncset.done $0x0  }
0xf2: {  	s26 =	sadd.s32 $0x80, s25;
	[sflag:s16] =	ssyncadd.s32 $0xFFFFC000  }
0xf3: {  	[tilespmem:s21], [sflag:$0x2] =	stream.indirect.gather [hbm4b:s5+s17], $0x80, s26, s17, $0xb8;
	[tilespmem:$0x1E400] =	vst v63  }
0xf4: {  	_ =	swait.ge [sflag:s22], $0x4000  }
0xf5: {  	[sflag:s22] =	ssyncset.done $0x0  }
0xf6: {  	s30 =	sadd.s32 $0x1400, s25;
	[sflag:s22] =	ssyncadd.s32 $0xFFFFC000  }
0xf7: {  	[spmem:s3] =	stream.indirect.scatter.add.f32 [tilespmem:s20], [sflag:$0x3], $0x80, s30, s17, $0xb8;
	[tilespmem:$0x1E400] =	vst v63  }
0xf8: {  	_ =	swait.ge [sflag:s16], $0x4000  }
0xf9: {  	[sflag:s16] =	ssyncset.done $0x0  }
0xfa: {  	s28 =	sadd.s32 $0x100, s25;
	[sflag:s16] =	ssyncadd.s32 $0xFFFFC000  }
0xfb: {  	[tilespmem:s20], [sflag:$0x1] =	stream.indirect.gather [hbm4b:s5+s17], $0x80, s28, s17, $0xb8;
	[tilespmem:$0x1E400] =	vst v63  }
0xfc: {  	_ =	swait.ge [sflag:s23], $0x4000  }
0xfd: {  	[sflag:s23] =	ssyncset.done $0x0  }
0xfe: {  	s29 =	sadd.s32 $0x1480, s25;
	[sflag:s23] =	ssyncadd.s32 $0xFFFFC000  }
0xff: {  	[spmem:s3] =	stream.indirect.scatter.add.f32 [tilespmem:s21], [sflag:$0x3], $0x80, s29, s17, $0xb8;
	[tilespmem:$0x1E400] =	vst v63  }
0x100: {  	_ =	swait.ge [sflag:s16], $0x4000  }
0x101: {  	[sflag:s16] =	ssyncset.done $0x0  }
0x102: {  	[sflag:s16] =	ssyncadd.s32 $0xFFFFC000  }
0x103: {  	[tilespmem:s21], [sflag:$0x2] =	stream.indirect.gather [hbm4b:s5+s17], $0x80, s31, s17, $0xb8;
	[tilespmem:$0x1E400] =	vst v63  }
0x104: {  	_ =	swait.ge [sflag:s22], $0x4000  }
0x105: {  	[sflag:s22] =	ssyncset.done $0x0  }
0x106: {  	[sflag:s22] =	ssyncadd.s32 $0xFFFFC000  }
0x107: {  	[spmem:s3] =	stream.indirect.scatter.add.f32 [tilespmem:s20], [sflag:$0x3], $0x80, s0, s17, $0xb8;
	[tilespmem:$0x1E400] =	vst v63  }
0x108: {  	_ =	swait.ge [sflag:s16], $0x4000  }
0x109: {  	[sflag:s16] =	ssyncset.done $0x0  }
0x10a: {  	[sflag:s16] =	ssyncadd.s32 $0xFFFFC000  }
0x10b: {  	_ =	swait.ge [sflag:s23], $0x4000  }
0x10c: {  	[sflag:s23] =	ssyncset.done $0x0  }
0x10d: {  	[sflag:s23] =	ssyncadd.s32 $0xFFFFC000  }
0x10e: {  	[spmem:s3] =	stream.indirect.scatter.add.f32 [tilespmem:s21], [sflag:$0x3], $0x80, s1, s17, $0xb8;
	[tilespmem:$0x1E400] =	vst v63  }
0x10f: {  	_ =	swait.ge [sflag:s16], $0x4000  }
0x110: {  	[sflag:s16] =	ssyncset.done $0x0  }
0x111: {  	s30 =	simm.s32 $0x0;
	[sflag:s16] =	ssyncadd.s32 $0xFFFFC000  }
0x112: {  	[tilespmem:s30], [sflag:$0x3] =	stream.strided.gather [hbm4b:s9+s17], $0x1400, s18, s17, $0x38;
	[tilespmem:$0x1E400] =	vst v63  }
0x113: {  	_ =	swait.ge [sflag:s16], $0x1400  }
0x114: {  	[sflag:s16] =	ssyncset.done $0x0  }
0x115: {  	p2 =	por $0x0, $0x0;
	[sflag:s16] =	ssyncadd.s32 $0xFFFFEC00  }
0x116: {  	[tilespmem:s19], [sflag:$0x3] =	stream.strided.gather [hbm4b:s10+s17], $0x1400, s18, s17, $0x38;
	[tilespmem:$0x1E400] =	vst v63  }
.Ltmp4:
0x117: {  	_ = 	snop;
	(pc) =	sbr.rel @p2 .LBB2_7-.Ltmp4, $4  }
0x118: {  	_ =	swait.ge [sflag:s16], $0x1400  }
0x119: {  	[sflag:s16] =	ssyncset.done $0x0  }
0x11a: {  	s25 =	simm.s32 $0x0;
	p1 =	por $0x0, $0x0;
	[sflag:s16] =	ssyncadd.s32 $0xFFFFEC00  }
0x11b: {  	[tilespmem:s20], [sflag:$0x1] =	stream.indirect.gather [hbm4b:s5+s17], $0x80, s30, s17, $0xb8;
	[tilespmem:$0x1E400] =	vst v63  }
0x11c: {  	s25 =	simm.s32 $0x80  }
0x11d: {  	[tilespmem:s21], [sflag:$0x2] =	stream.indirect.gather [hbm4b:s5+s17], $0x80, s25, s17, $0xb8;
	[tilespmem:$0x1E400] =	vst v63  }
0x11e: {  	_ =	swait.ge [sflag:s22], $0x4000  }
0x11f: {  	[sflag:s22] =	ssyncset.done $0x0  }
0x120: {  	s28 =	simm.s32 $0x1400;
	[sflag:s22] =	ssyncadd.s32 $0xFFFFC000  }
0x121: {  	[spmem:s3] =	stream.indirect.scatter.add.f32 [tilespmem:s20], [sflag:$0x3], $0x80, s28, s17, $0xb8;
	[tilespmem:$0x1E400] =	vst v63  }
0x122: {  	_ =	swait.ge [sflag:s16], $0x4000  }
0x123: {  	[sflag:s16] =	ssyncset.done $0x0  }
0x124: {  	s29 =	simm.s32 $0x100;
	[sflag:s16] =	ssyncadd.s32 $0xFFFFC000  }
0x125: {  	[tilespmem:s20], [sflag:$0x1] =	stream.indirect.gather [hbm4b:s5+s17], $0x80, s29, s17, $0xb8;
	[tilespmem:$0x1E400] =	vst v63  }
0x126: {  	p2 =	por $0x0, $0x0;
	_ =	swait.ge [sflag:s23], $0x4000  }
.Ltmp5:
0x127: {  	[sflag:s23] =	ssyncset.done $0x0;
	(pc) =	sbr.rel @p2 .LBB2_7-.Ltmp5, $4  }
0x128: {  	s30 =	simm.s32 $0x1480;
	[sflag:s23] =	ssyncadd.s32 $0xFFFFC000  }
0x129: {  	[spmem:s3] =	stream.indirect.scatter.add.f32 [tilespmem:s21], [sflag:$0x3], $0x80, s30, s17, $0xb8;
	[tilespmem:$0x1E400] =	vst v63  }
0x12a: {  	s26 =	simm.s32 $0x800;
	_ =	swait.ge [sflag:s16], $0x4000  }
0x12b: {  	p1 =	por $0x1, $0x1;
	s25 =	simm.s32 $0x100;
	[sflag:s16] =	ssyncset.done $0x0  }
.LBB2_6:
0x12c: {  	s28 =	sadd.s32 $0x80, s25  }
0x12d: {  	[sflag:s16] =	ssyncadd.s32 $0xFFFFC000;
	s29 =	smov.u32 s26;
	s30 =	sadd.s32 $0x400, s26  }
0x12e: {  	[tilespmem:s21], [sflag:$0x2] =	stream.indirect.gather [hbm4b:s5+s17], $0x80, s28, s17, $0xb8;
	[tilespmem:$0x1E400] =	vst v63  }
0x12f: {  	p2 =	seq.s32 s26, $0x4800;
	_ =	swait.ge [sflag:s22], $0x4000  }
0x130: {  	[sflag:s22] =	ssyncset.done $0x0  }
0x131: {  	s26 =	sadd.s32 $0x1400, s25;
	[sflag:s22] =	ssyncadd.s32 $0xFFFFC000  }
0x132: {  	[spmem:s3] =	stream.indirect.scatter.add.f32 [tilespmem:s20], [sflag:$0x3], $0x80, s26, s17, $0xb8;
	[tilespmem:$0x1E400] =	vst v63  }
0x133: {  	_ =	swait.ge [sflag:s16], $0x4000  }
0x134: {  	[sflag:s16] =	ssyncset.done $0x0  }
0x135: {  	s26 =	sadd.s32 $0x100, s25;
	[sflag:s16] =	ssyncadd.s32 $0xFFFFC000  }
0x136: {  	[tilespmem:s20], [sflag:$0x1] =	stream.indirect.gather [hbm4b:s5+s17], $0x80, s26, s17, $0xb8;
	[tilespmem:$0x1E400] =	vst v63  }
0x137: {  	_ =	swait.ge [sflag:s23], $0x4000  }
.Ltmp6:
0x138: {  	[sflag:s23] =	ssyncset.done $0x0;
	(pc) =	sbr.rel @!p2 .LBB2_6-.Ltmp6, $4  }
0x139: {  	s25 =	sadd.s32 $0x1480, s25;
	[sflag:s23] =	ssyncadd.s32 $0xFFFFC000  }
0x13a: {  	[spmem:s3] =	stream.indirect.scatter.add.f32 [tilespmem:s21], [sflag:$0x3], $0x80, s25, s17, $0xb8;
	[tilespmem:$0x1E400] =	vst v63  }
0x13b: {  	_ =	swait.ge [sflag:s16], $0x4000  }
0x13c: {  	s26 =	smov.u32 s30;
	s25 =	sshra.s32 s29, $0x2;
	[sflag:s16] =	ssyncset.done $0x0  }
.LBB2_7:
0x13d: {  	s26 =	sadd.s32 $0x80, s25;
	[sflag:s16] =	ssyncadd.s32 @p1 $0xFFFFC000  }
0x13e: {  	[tilespmem:s21], [sflag:$0x2] =	stream.indirect.gather [hbm4b:s5+s17], $0x80, s26, s17, $0xb8;
	[tilespmem:$0x1E400] =	vst v63  }
0x13f: {  	_ =	swait.ge [sflag:s22], $0x4000  }
0x140: {  	[sflag:s22] =	ssyncset.done $0x0  }
0x141: {  	s30 =	sadd.s32 $0x1400, s25;
	[sflag:s22] =	ssyncadd.s32 $0xFFFFC000  }
0x142: {  	[spmem:s3] =	stream.indirect.scatter.add.f32 [tilespmem:s20], [sflag:$0x3], $0x80, s30, s17, $0xb8;
	[tilespmem:$0x1E400] =	vst v63  }
0x143: {  	_ =	swait.ge [sflag:s16], $0x4000  }
0x144: {  	[sflag:s16] =	ssyncset.done $0x0  }
0x145: {  	s29 =	sadd.s32 $0x100, s25;
	[sflag:s16] =	ssyncadd.s32 $0xFFFFC000  }
0x146: {  	[tilespmem:s20], [sflag:$0x1] =	stream.indirect.gather [hbm4b:s5+s17], $0x80, s29, s17, $0xb8;
	[tilespmem:$0x1E400] =	vst v63  }
0x147: {  	_ =	swait.ge [sflag:s23], $0x4000  }
0x148: {  	[sflag:s23] =	ssyncset.done $0x0  }
.Ltmp7:
0x149: {  	s30 =	sadd.s32 $0x1480, s25;
	[sflag:s23] =	ssyncadd.s32 $0xFFFFC000;
	(pc) =	sbr.rel .LBB2_9-.Ltmp7, $4  }
0x14a: {  	[spmem:s3] =	stream.indirect.scatter.add.f32 [tilespmem:s21], [sflag:$0x3], $0x80, s30, s17, $0xb8;
	[tilespmem:$0x1E400] =	vst v63  }
0x14b: {  	_ =	swait.ge [sflag:s16], $0x4000  }
0x14c: {  	s28 =	simm.s32 $0x1380;
	[sflag:s16] =	ssyncset.done $0x0  }
0x14d: {  	s26 =	simm.s32 $0x2700;
	s25 =	simm.s32 $0x2780;
	[sflag:s16] =	ssyncadd.s32 $0xFFFFC000  }
.LBB2_10:
0x14e: {  	_ =	sfence.sel $0x180000  }
0x14f: {  	[bflag:$0x0] =	sbarrier.arrive $0xFFFF  }
0x150: {  	_ =	strace $0x9000004A  }
0x151: {  	s0 =	stileid.u32;
	[bflag:$0x2] =	sbarrier.arrive $0xFFFF  }
0x152: {  	p0 =	sne.s32 s0, $0x0;
	s0 =	rddreg [dreg:$0x4]  }
0x153: {  	s0 =	sadd.s32 @!p0 $0x100000, s0  }
0x154: {  	[sflag:s0] =	ssyncadd.tile.s32 @!p0 $0x1;
	_ =	shalt  }
.Lfunc_end2:
_tile_overlayer_lowered:
.L_overlay_start_2:
0x155: {  	(tag) =	ssettag $0x2  }
0x156: {  	s0 =	rddreg [dreg:$0x0];
	s2 =	stileid.u32  }
0x157: {  	s1 =	rddreg [dreg:$0x1];
	p0 =	sne.s32 s2, $0x0  }
0x158: {  	s3 =	rddreg [dreg:$0x2];
	[bflag:$0x3] =	sbarrier.arrive $0xFFFF;
	s2 =	simm.s32 @!p0 $0x1C03  }
0x159: {  	[timem:s3], [sflag:s2] =	dma.local @!p0 [hbm:s0], s1  }
0x15a: {  	s0 =	simm.s32 @!p0 $0x3  }
0x15b: {  	_ =	swait.ge @!p0 [sflag:s0], s1  }
0x15c: {  	s1 =	ssub.s32 @!p0 $0x0, s1;
	[sflag:s0] =	ssyncset.done @!p0 $0x0  }
0x15d: {  	[sflag:s0] =	ssyncadd.s32 @!p0 s1  }
0x15e: {  	[bflag:$0x3] =	sbarrier.arrive $0xFFFF  }
0x15f: {  	_ =	shalt  }

</sc_bundles>
